<compile_context>
chip_gen: v7x
topology: tpu7x:2x2x1
jax: 0.10.2.dev20260603
libtpu: 0.0.44.dev20260713+nightly
codegen_flags: <defaults>
</compile_context>

<pallas_src>
import jax
import jax.numpy as jnp
from jax import lax
from jax.experimental import pallas as pl
from jax.experimental.pallas import tpu as pltpu
from jax.experimental.pallas import tpu_sc as plsc

_B, _C, _H, _W = 8, 21, 512, 512
_HW = _H * _W
_EPS = 1e-05

_K = 1024
_NJ = (_HW // 128) // _K


def _tc_body(pred_ref, tgt_ref, out_ref):
    j = pl.program_id(1)
    p = pred_ref[0]
    t = tgt_ref[0]
    cls = lax.broadcasted_iota(jnp.int32, (_C, 1, 1), 0)
    m = cls == t
    inter = jnp.sum(jnp.where(m, p, 0.0), axis=1)
    p2 = jnp.sum(p * p, axis=1)
    part = jnp.concatenate([inter, p2], axis=0)

    @pl.when(j == 0)
    def _():
        out_ref[0] = part

    @pl.when(j != 0)
    def _():
        out_ref[0] += part


_NC, _NS = 2, 16
_NW = _NC * _NS
_PXW = (_B * _HW) // _NW
_CHUNK_SC = 1024
_NCH = _PXW // _CHUNK_SC


def _sc_hist_body(tgt_hbm, out_hbm, tbuf, bins):
    wid = lax.axis_index("s") * _NC + lax.axis_index("c")
    base = wid * _PXW
    ones = jnp.ones((16,), jnp.float32)
    zeros = jnp.zeros((16,), jnp.float32)
    li = lax.iota(jnp.int32, 16)

    def zero_row(r, carry):
        bins[pl.ds(r * 16, 16)] = zeros
        return carry

    lax.fori_loop(0, _C * _C, zero_row, 0)

    def chunk(i, carry):
        pltpu.sync_copy(tgt_hbm.at[pl.ds(base + i * _CHUNK_SC, _CHUNK_SC)],
                        tbuf)
        for s in range(_CHUNK_SC // 32):
            ta = tbuf[pl.ds(s * 32, 16)]
            tb = tbuf[pl.ds(s * 32 + 16, 16)]
            plsc.addupdate_scatter(bins, [(ta * _C + tb) * 16 + li], ones)
        return carry

    lax.fori_loop(0, _NCH, chunk, 0)
    pltpu.sync_copy(bins, out_hbm.at[wid])


def _sc_hist(tgt_flat):
    mesh = plsc.VectorSubcoreMesh(core_axis_name="c", subcore_axis_name="s")
    return pl.kernel(
        _sc_hist_body,
        out_type=jax.ShapeDtypeStruct((_NW, _C * _C * 16), jnp.float32),
        mesh=mesh,
        scratch_types=[
            pltpu.VMEM((_CHUNK_SC,), jnp.int32),
            pltpu.VMEM((_C * _C * 16,), jnp.float32),
        ],
        compiler_params=pltpu.CompilerParams(needs_layout_passes=False),
    )(tgt_flat)


def kernel(prediction, target):
    tgt = target.astype(jnp.int32)
    pred4 = prediction.reshape(_B, _C, _HW // 128, 128)
    tgt4 = tgt.reshape(_B, 1, _HW // 128, 128)

    sums = pl.pallas_call(
        _tc_body,
        grid=(_B, _NJ),
        in_specs=[
            pl.BlockSpec((1, _C, _K, 128), lambda b, j: (b, 0, j, 0)),
            pl.BlockSpec((1, 1, _K, 128), lambda b, j: (b, 0, j, 0)),
        ],
        out_specs=pl.BlockSpec((1, 2 * _C, 128), lambda b, j: (b, 0, 0)),
        out_shape=jax.ShapeDtypeStruct((_B, 2 * _C, 128), jnp.float32),
        compiler_params=pltpu.CompilerParams(
            dimension_semantics=("parallel", "arbitrary")),
    )(pred4, tgt4)

    hist = _sc_hist(tgt.reshape(_B * _HW))

    s = sums.sum(axis=-1)
    inter = s[:, :_C]
    p2 = s[:, _C:]
    joint = hist.reshape(_B, _NW // _B, _C, _C, 16).sum(axis=(1, 4))
    cnt = joint.sum(axis=2) + joint.sum(axis=1)
    dice = (2.0 * inter + _EPS) / (p2 + cnt + _EPS)
    return 1.0 - dice.mean()

# --- scband reference (transcript-rebuilt; emitter-appended) ---
"""Pipeline reference for scband-dice-loss-824633721226 (READ-ONLY COPY).

The authoritative reference and input builder live on the scoring server;
editing this copy changes nothing except your own understanding.
"""

import jax, jax.numpy as jnp
import numpy as np

B, C, H, W = 8, 21, 512, 512
EPS = 1e-05

def setup_inputs(seed: int = 0) -> dict:
    key = jax.random.key(seed)
    k1, k2 = jax.random.split(key)
    prediction = jax.random.uniform(k1, (B, C, H, W), dtype=jnp.float32)
    target = jax.random.randint(k2, (B, H, W), 0, C, dtype=jnp.int64)
    return {"prediction": prediction, "target": target}

def reference(prediction, target):
    # prediction.view(B, C, -1)
    pred = prediction.reshape(prediction.shape[0], prediction.shape[1], -1)
    # target.view(B, 1, -1) then scatter 1 along class dim -> one-hot [B, C, HW]
    tgt = target.reshape(target.shape[0], -1)
    num_classes = pred.shape[1]
    # scatter-overwrite one-hot: zeros.at[b, class, pos].set(1)
    target_onehot = jax.nn.one_hot(tgt, num_classes, axis=1, dtype=pred.dtype)
    eps = EPS
    inter = jnp.sum(pred * target_onehot, axis=2)
    denom = jnp.sum(pred ** 2, axis=2) + jnp.sum(target_onehot ** 2, axis=2)
    dice = (2 * inter + eps) / (denom + eps)
    return 1 - dice.mean()

if __name__ == "__main__":
    import jax
    _d = setup_inputs()
    print(jax.jit(kernel)(*tuple(_d.values())))

</pallas_src>

<mosaic_0001>
#map = affine_map<(d0, d1) -> (0)>
#map1 = affine_map<(d0, d1) -> (0, 0)>
module attributes {stable_mosaic.version = 14 : i64} {
  func.func @_sc_hist_body(%arg0: i32, %arg1: i32, %arg2: memref<2097152xi32, #tpu.memory_space<hbm>>, %arg3: memref<32x7056xf32, #tpu.memory_space<hbm>>, %arg4: memref<1024xi32, #tpu.memory_space<vmem>>, %arg5: memref<7056xf32, #tpu.memory_space<vmem>>) attributes {dimension_semantics = [#tpu.dimension_semantics<core_parallel>, #tpu.dimension_semantics<subcore_parallel>], iteration_bounds = array<i64: 2, 16>, scalar_prefetch = 0 : i64, scratch_operands = 2 : i64, tpu.core_type = #tpu.core_type<sc_vector_subcore>, window_params = [{transform_indices = #map}, {transform_indices = #map1}]} {
    %mul3A = arith.constant 2 : i32
    %mul3A_0 = arith.muli %arg1, %mul3A : i32
    %add3A = arith.addi %mul3A_0, %arg0 : i32
    %mul3A_1 = arith.constant 65536 : i32
    %mul3A_2 = arith.muli %add3A, %mul3A_1 : i32
    %broadcast_in_dim3A = arith.constant 1.000000e+00 : f32
    %broadcast_in_dim3A_3 = vector.broadcast %broadcast_in_dim3A : f32 to vector<16xf32>
    %broadcast_in_dim3A_4 = arith.constant 0.000000e+00 : f32
    %broadcast_in_dim3A_5 = vector.broadcast %broadcast_in_dim3A_4 : f32 to vector<16xf32>
    %iota3A = tpu.iota {dimensions = array<i32: 0>} : vector<16xi32>
    %scan3A = arith.constant 0 : i32
    %scan3A_6 = arith.constant 0 : i32
    %scan3A_7 = arith.constant 441 : i32
    %scan3A_8 = arith.addi %scan3A_6, %scan3A_7 : i32
    %scan3A_9 = arith.constant 1 : i32
    scf.for %scan3A_17 = %scan3A_6 to %scan3A_8 step %scan3A_9  : i32 {
      %mul3A_18 = arith.constant 16 : i32
      %mul3A_19 = arith.muli %scan3A_17, %mul3A_18 : i32
      %swap3A = arith.index_cast %mul3A_19 : i32 to index
      %swap3A_20 = tpu.vector_load %arg5[%swap3A] {strides = array<i32>} : memref<7056xf32, #tpu.memory_space<vmem>>, vector<16xf32>,
      tpu.vector_store %arg5[%swap3A], %broadcast_in_dim3A_5 {strides = array<i32>} : memref<7056xf32, #tpu.memory_space<vmem>>, vector<16xf32>,
    }
    %scan3A_10 = arith.constant 441 : i32
    %scan3A_11 = arith.constant 0 : i32
    %scan3A_12 = arith.constant 0 : i32
    %scan3A_13 = arith.constant 64 : i32
    %scan3A_14 = arith.addi %scan3A_12, %scan3A_13 : i32
    %scan3A_15 = arith.constant 1 : i32
    scf.for %scan3A_17 = %scan3A_12 to %scan3A_14 step %scan3A_15  : i32 {
      %mul3A_18 = arith.constant 1024 : i32
      %mul3A_19 = arith.muli %scan3A_17, %mul3A_18 : i32
      %add3A_20 = arith.addi %mul3A_2, %mul3A_19 : i32
      "tpu.region"() ({
        %run_scoped3A = tpu.sem_alloc : memref<!tpu.dma_semaphore, #tpu.memory_space<semaphore_mem>>
        %dma_start3A = tpu.memref_slice %arg2[%add3A_20] : memref<2097152xi32, #tpu.memory_space<hbm>> -> memref<1024xi32, #tpu.memory_space<hbm>>
        %dma_start3A_404 = tpu.memref_slice %arg2[%add3A_20] : memref<2097152xi32, #tpu.memory_space<hbm>> -> memref<1024xi32, #tpu.memory_space<hbm>>
        tpu.enqueue_dma source(%dma_start3A_404 : memref<1024xi32, #tpu.memory_space<hbm>>) target(%arg4 : memref<1024xi32, #tpu.memory_space<vmem>>) target_semaphore(%run_scoped3A : memref<!tpu.dma_semaphore, #tpu.memory_space<semaphore_mem>>)
        %dma_wait3A = tpu.memref_slice %arg2[%add3A_20] : memref<2097152xi32, #tpu.memory_space<hbm>> -> memref<1024xi32, #tpu.memory_space<hbm>>
        %dma_wait3A_405 = tpu.memref_slice %arg2[%add3A_20] : memref<2097152xi32, #tpu.memory_space<hbm>> -> memref<1024xi32, #tpu.memory_space<hbm>>
        tpu.wait_dma2 semaphore(%run_scoped3A : memref<!tpu.dma_semaphore, #tpu.memory_space<semaphore_mem>>) src(%dma_wait3A_405 : memref<1024xi32, #tpu.memory_space<hbm>>) dst(%arg4 : memref<1024xi32, #tpu.memory_space<vmem>>)
        tpu.yield
      }) : () -> ()
      %get3A = arith.constant 0 : index
      %get3A_21 = tpu.vector_load %arg4[%get3A] {strides = array<i32>} : memref<1024xi32, #tpu.memory_space<vmem>>, vector<16xi32>,
      %get3A_22 = arith.constant 16 : index
      %get3A_23 = tpu.vector_load %arg4[%get3A_22] {strides = array<i32>} : memref<1024xi32, #tpu.memory_space<vmem>>, vector<16xi32>,
      %mul3A_24 = arith.constant 21 : i32
      %mul3A_25 = vector.broadcast %mul3A_24 : i32 to vector<16xi32>
      %mul3A_26 = arith.muli %get3A_21, %mul3A_25 : vector<16xi32>
      %add3A_27 = arith.addi %mul3A_26, %get3A_23 : vector<16xi32>
      %mul3A_28 = arith.constant 16 : i32
      %mul3A_29 = vector.broadcast %mul3A_28 : i32 to vector<16xi32>
      %mul3A_30 = arith.muli %add3A_27, %mul3A_29 : vector<16xi32>
      %add3A_31 = arith.addi %mul3A_30, %iota3A : vector<16xi32>
      tpu.vector_store_idx %arg5[%add3A_31], %broadcast_in_dim3A_3 {add = true} : memref<7056xf32, #tpu.memory_space<vmem>>[vector<16xi32>], vector<16xf32>,
      %get3A_32 = arith.constant 32 : index
      %get3A_33 = tpu.vector_load %arg4[%get3A_32] {strides = array<i32>} : memref<1024xi32, #tpu.memory_space<vmem>>, vector<16xi32>,
      %get3A_34 = arith.constant 48 : index
      %get3A_35 = tpu.vector_load %arg4[%get3A_34] {strides = array<i32>} : memref<1024xi32, #tpu.memory_space<vmem>>, vector<16xi32>,
      %mul3A_36 = arith.constant 21 : i32
      %mul3A_37 = vector.broadcast %mul3A_36 : i32 to vector<16xi32>
      %mul3A_38 = arith.muli %get3A_33, %mul3A_37 : vector<16xi32>
      %add3A_39 = arith.addi %mul3A_38, %get3A_35 : vector<16xi32>
      %mul3A_40 = arith.constant 16 : i32
      %mul3A_41 = vector.broadcast %mul3A_40 : i32 to vector<16xi32>
      %mul3A_42 = arith.muli %add3A_39, %mul3A_41 : vector<16xi32>
      %add3A_43 = arith.addi %mul3A_42, %iota3A : vector<16xi32>
      tpu.vector_store_idx %arg5[%add3A_43], %broadcast_in_dim3A_3 {add = true} : memref<7056xf32, #tpu.memory_space<vmem>>[vector<16xi32>], vector<16xf32>,
      %get3A_44 = arith.constant 64 : index
      %get3A_45 = tpu.vector_load %arg4[%get3A_44] {strides = array<i32>} : memref<1024xi32, #tpu.memory_space<vmem>>, vector<16xi32>,
      %get3A_46 = arith.constant 80 : index
      %get3A_47 = tpu.vector_load %arg4[%get3A_46] {strides = array<i32>} : memref<1024xi32, #tpu.memory_space<vmem>>, vector<16xi32>,
      %mul3A_48 = arith.constant 21 : i32
      %mul3A_49 = vector.broadcast %mul3A_48 : i32 to vector<16xi32>
      %mul3A_50 = arith.muli %get3A_45, %mul3A_49 : vector<16xi32>
      %add3A_51 = arith.addi %mul3A_50, %get3A_47 : vector<16xi32>
      %mul3A_52 = arith.constant 16 : i32
      %mul3A_53 = vector.broadcast %mul3A_52 : i32 to vector<16xi32>
      %mul3A_54 = arith.muli %add3A_51, %mul3A_53 : vector<16xi32>
      %add3A_55 = arith.addi %mul3A_54, %iota3A : vector<16xi32>
      tpu.vector_store_idx %arg5[%add3A_55], %broadcast_in_dim3A_3 {add = true} : memref<7056xf32, #tpu.memory_space<vmem>>[vector<16xi32>], vector<16xf32>,
      %get3A_56 = arith.constant 96 : index
      %get3A_57 = tpu.vector_load %arg4[%get3A_56] {strides = array<i32>} : memref<1024xi32, #tpu.memory_space<vmem>>, vector<16xi32>,
      %get3A_58 = arith.constant 112 : index
      %get3A_59 = tpu.vector_load %arg4[%get3A_58] {strides = array<i32>} : memref<1024xi32, #tpu.memory_space<vmem>>, vector<16xi32>,
      %mul3A_60 = arith.constant 21 : i32
      %mul3A_61 = vector.broadcast %mul3A_60 : i32 to vector<16xi32>
      %mul3A_62 = arith.muli %get3A_57, %mul3A_61 : vector<16xi32>
      %add3A_63 = arith.addi %mul3A_62, %get3A_59 : vector<16xi32>
      %mul3A_64 = arith.constant 16 : i32
      %mul3A_65 = vector.broadcast %mul3A_64 : i32 to vector<16xi32>
      %mul3A_66 = arith.muli %add3A_63, %mul3A_65 : vector<16xi32>
      %add3A_67 = arith.addi %mul3A_66, %iota3A : vector<16xi32>
      tpu.vector_store_idx %arg5[%add3A_67], %broadcast_in_dim3A_3 {add = true} : memref<7056xf32, #tpu.memory_space<vmem>>[vector<16xi32>], vector<16xf32>,
      %get3A_68 = arith.constant 128 : index
      %get3A_69 = tpu.vector_load %arg4[%get3A_68] {strides = array<i32>} : memref<1024xi32, #tpu.memory_space<vmem>>, vector<16xi32>,
      %get3A_70 = arith.constant 144 : index
      %get3A_71 = tpu.vector_load %arg4[%get3A_70] {strides = array<i32>} : memref<1024xi32, #tpu.memory_space<vmem>>, vector<16xi32>,
      %mul3A_72 = arith.constant 21 : i32
      %mul3A_73 = vector.broadcast %mul3A_72 : i32 to vector<16xi32>
      %mul3A_74 = arith.muli %get3A_69, %mul3A_73 : vector<16xi32>
      %add3A_75 = arith.addi %mul3A_74, %get3A_71 : vector<16xi32>
      %mul3A_76 = arith.constant 16 : i32
      %mul3A_77 = vector.broadcast %mul3A_76 : i32 to vector<16xi32>
      %mul3A_78 = arith.muli %add3A_75, %mul3A_77 : vector<16xi32>
      %add3A_79 = arith.addi %mul3A_78, %iota3A : vector<16xi32>
      tpu.vector_store_idx %arg5[%add3A_79], %broadcast_in_dim3A_3 {add = true} : memref<7056xf32, #tpu.memory_space<vmem>>[vector<16xi32>], vector<16xf32>,
      %get3A_80 = arith.constant 160 : index
      %get3A_81 = tpu.vector_load %arg4[%get3A_80] {strides = array<i32>} : memref<1024xi32, #tpu.memory_space<vmem>>, vector<16xi32>,
      %get3A_82 = arith.constant 176 : index
      %get3A_83 = tpu.vector_load %arg4[%get3A_82] {strides = array<i32>} : memref<1024xi32, #tpu.memory_space<vmem>>, vector<16xi32>,
      %mul3A_84 = arith.constant 21 : i32
      %mul3A_85 = vector.broadcast %mul3A_84 : i32 to vector<16xi32>
      %mul3A_86 = arith.muli %get3A_81, %mul3A_85 : vector<16xi32>
      %add3A_87 = arith.addi %mul3A_86, %get3A_83 : vector<16xi32>
      %mul3A_88 = arith.constant 16 : i32
      %mul3A_89 = vector.broadcast %mul3A_88 : i32 to vector<16xi32>
      %mul3A_90 = arith.muli %add3A_87, %mul3A_89 : vector<16xi32>
      %add3A_91 = arith.addi %mul3A_90, %iota3A : vector<16xi32>
      tpu.vector_store_idx %arg5[%add3A_91], %broadcast_in_dim3A_3 {add = true} : memref<7056xf32, #tpu.memory_space<vmem>>[vector<16xi32>], vector<16xf32>,
      %get3A_92 = arith.constant 192 : index
      %get3A_93 = tpu.vector_load %arg4[%get3A_92] {strides = array<i32>} : memref<1024xi32, #tpu.memory_space<vmem>>, vector<16xi32>,
      %get3A_94 = arith.constant 208 : index
      %get3A_95 = tpu.vector_load %arg4[%get3A_94] {strides = array<i32>} : memref<1024xi32, #tpu.memory_space<vmem>>, vector<16xi32>,
      %mul3A_96 = arith.constant 21 : i32
      %mul3A_97 = vector.broadcast %mul3A_96 : i32 to vector<16xi32>
      %mul3A_98 = arith.muli %get3A_93, %mul3A_97 : vector<16xi32>
      %add3A_99 = arith.addi %mul3A_98, %get3A_95 : vector<16xi32>
      %mul3A_100 = arith.constant 16 : i32
      %mul3A_101 = vector.broadcast %mul3A_100 : i32 to vector<16xi32>
      %mul3A_102 = arith.muli %add3A_99, %mul3A_101 : vector<16xi32>
      %add3A_103 = arith.addi %mul3A_102, %iota3A : vector<16xi32>
      tpu.vector_store_idx %arg5[%add3A_103], %broadcast_in_dim3A_3 {add = true} : memref<7056xf32, #tpu.memory_space<vmem>>[vector<16xi32>], vector<16xf32>,
      %get3A_104 = arith.constant 224 : index
      %get3A_105 = tpu.vector_load %arg4[%get3A_104] {strides = array<i32>} : memref<1024xi32, #tpu.memory_space<vmem>>, vector<16xi32>,
      %get3A_106 = arith.constant 240 : index
      %get3A_107 = tpu.vector_load %arg4[%get3A_106] {strides = array<i32>} : memref<1024xi32, #tpu.memory_space<vmem>>, vector<16xi32>,
      %mul3A_108 = arith.constant 21 : i32
      %mul3A_109 = vector.broadcast %mul3A_108 : i32 to vector<16xi32>
      %mul3A_110 = arith.muli %get3A_105, %mul3A_109 : vector<16xi32>
      %add3A_111 = arith.addi %mul3A_110, %get3A_107 : vector<16xi32>
      %mul3A_112 = arith.constant 16 : i32
      %mul3A_113 = vector.broadcast %mul3A_112 : i32 to vector<16xi32>
      %mul3A_114 = arith.muli %add3A_111, %mul3A_113 : vector<16xi32>
      %add3A_115 = arith.addi %mul3A_114, %iota3A : vector<16xi32>
      tpu.vector_store_idx %arg5[%add3A_115], %broadcast_in_dim3A_3 {add = true} : memref<7056xf32, #tpu.memory_space<vmem>>[vector<16xi32>], vector<16xf32>,
      %get3A_116 = arith.constant 256 : index
      %get3A_117 = tpu.vector_load %arg4[%get3A_116] {strides = array<i32>} : memref<1024xi32, #tpu.memory_space<vmem>>, vector<16xi32>,
      %get3A_118 = arith.constant 272 : index
      %get3A_119 = tpu.vector_load %arg4[%get3A_118] {strides = array<i32>} : memref<1024xi32, #tpu.memory_space<vmem>>, vector<16xi32>,
      %mul3A_120 = arith.constant 21 : i32
      %mul3A_121 = vector.broadcast %mul3A_120 : i32 to vector<16xi32>
      %mul3A_122 = arith.muli %get3A_117, %mul3A_121 : vector<16xi32>
      %add3A_123 = arith.addi %mul3A_122, %get3A_119 : vector<16xi32>
      %mul3A_124 = arith.constant 16 : i32
      %mul3A_125 = vector.broadcast %mul3A_124 : i32 to vector<16xi32>
      %mul3A_126 = arith.muli %add3A_123, %mul3A_125 : vector<16xi32>
      %add3A_127 = arith.addi %mul3A_126, %iota3A : vector<16xi32>
      tpu.vector_store_idx %arg5[%add3A_127], %broadcast_in_dim3A_3 {add = true} : memref<7056xf32, #tpu.memory_space<vmem>>[vector<16xi32>], vector<16xf32>,
      %get3A_128 = arith.constant 288 : index
      %get3A_129 = tpu.vector_load %arg4[%get3A_128] {strides = array<i32>} : memref<1024xi32, #tpu.memory_space<vmem>>, vector<16xi32>,
      %get3A_130 = arith.constant 304 : index
      %get3A_131 = tpu.vector_load %arg4[%get3A_130] {strides = array<i32>} : memref<1024xi32, #tpu.memory_space<vmem>>, vector<16xi32>,
      %mul3A_132 = arith.constant 21 : i32
      %mul3A_133 = vector.broadcast %mul3A_132 : i32 to vector<16xi32>
      %mul3A_134 = arith.muli %get3A_129, %mul3A_133 : vector<16xi32>
      %add3A_135 = arith.addi %mul3A_134, %get3A_131 : vector<16xi32>
      %mul3A_136 = arith.constant 16 : i32
      %mul3A_137 = vector.broadcast %mul3A_136 : i32 to vector<16xi32>
      %mul3A_138 = arith.muli %add3A_135, %mul3A_137 : vector<16xi32>
      %add3A_139 = arith.addi %mul3A_138, %iota3A : vector<16xi32>
      tpu.vector_store_idx %arg5[%add3A_139], %broadcast_in_dim3A_3 {add = true} : memref<7056xf32, #tpu.memory_space<vmem>>[vector<16xi32>], vector<16xf32>,
      %get3A_140 = arith.constant 320 : index
      %get3A_141 = tpu.vector_load %arg4[%get3A_140] {strides = array<i32>} : memref<1024xi32, #tpu.memory_space<vmem>>, vector<16xi32>,
      %get3A_142 = arith.constant 336 : index
      %get3A_143 = tpu.vector_load %arg4[%get3A_142] {strides = array<i32>} : memref<1024xi32, #tpu.memory_space<vmem>>, vector<16xi32>,
      %mul3A_144 = arith.constant 21 : i32
      %mul3A_145 = vector.broadcast %mul3A_144 : i32 to vector<16xi32>
      %mul3A_146 = arith.muli %get3A_141, %mul3A_145 : vector<16xi32>
      %add3A_147 = arith.addi %mul3A_146, %get3A_143 : vector<16xi32>
      %mul3A_148 = arith.constant 16 : i32
      %mul3A_149 = vector.broadcast %mul3A_148 : i32 to vector<16xi32>
      %mul3A_150 = arith.muli %add3A_147, %mul3A_149 : vector<16xi32>
      %add3A_151 = arith.addi %mul3A_150, %iota3A : vector<16xi32>
      tpu.vector_store_idx %arg5[%add3A_151], %broadcast_in_dim3A_3 {add = true} : memref<7056xf32, #tpu.memory_space<vmem>>[vector<16xi32>], vector<16xf32>,
      %get3A_152 = arith.constant 352 : index
      %get3A_153 = tpu.vector_load %arg4[%get3A_152] {strides = array<i32>} : memref<1024xi32, #tpu.memory_space<vmem>>, vector<16xi32>,
      %get3A_154 = arith.constant 368 : index
      %get3A_155 = tpu.vector_load %arg4[%get3A_154] {strides = array<i32>} : memref<1024xi32, #tpu.memory_space<vmem>>, vector<16xi32>,
      %mul3A_156 = arith.constant 21 : i32
      %mul3A_157 = vector.broadcast %mul3A_156 : i32 to vector<16xi32>
      %mul3A_158 = arith.muli %get3A_153, %mul3A_157 : vector<16xi32>
      %add3A_159 = arith.addi %mul3A_158, %get3A_155 : vector<16xi32>
      %mul3A_160 = arith.constant 16 : i32
      %mul3A_161 = vector.broadcast %mul3A_160 : i32 to vector<16xi32>
      %mul3A_162 = arith.muli %add3A_159, %mul3A_161 : vector<16xi32>
      %add3A_163 = arith.addi %mul3A_162, %iota3A : vector<16xi32>
      tpu.vector_store_idx %arg5[%add3A_163], %broadcast_in_dim3A_3 {add = true} : memref<7056xf32, #tpu.memory_space<vmem>>[vector<16xi32>], vector<16xf32>,
      %get3A_164 = arith.constant 384 : index
      %get3A_165 = tpu.vector_load %arg4[%get3A_164] {strides = array<i32>} : memref<1024xi32, #tpu.memory_space<vmem>>, vector<16xi32>,
      %get3A_166 = arith.constant 400 : index
      %get3A_167 = tpu.vector_load %arg4[%get3A_166] {strides = array<i32>} : memref<1024xi32, #tpu.memory_space<vmem>>, vector<16xi32>,
      %mul3A_168 = arith.constant 21 : i32
      %mul3A_169 = vector.broadcast %mul3A_168 : i32 to vector<16xi32>
      %mul3A_170 = arith.muli %get3A_165, %mul3A_169 : vector<16xi32>
      %add3A_171 = arith.addi %mul3A_170, %get3A_167 : vector<16xi32>
      %mul3A_172 = arith.constant 16 : i32
      %mul3A_173 = vector.broadcast %mul3A_172 : i32 to vector<16xi32>
      %mul3A_174 = arith.muli %add3A_171, %mul3A_173 : vector<16xi32>
      %add3A_175 = arith.addi %mul3A_174, %iota3A : vector<16xi32>
      tpu.vector_store_idx %arg5[%add3A_175], %broadcast_in_dim3A_3 {add = true} : memref<7056xf32, #tpu.memory_space<vmem>>[vector<16xi32>], vector<16xf32>,
      %get3A_176 = arith.constant 416 : index
      %get3A_177 = tpu.vector_load %arg4[%get3A_176] {strides = array<i32>} : memref<1024xi32, #tpu.memory_space<vmem>>, vector<16xi32>,
      %get3A_178 = arith.constant 432 : index
      %get3A_179 = tpu.vector_load %arg4[%get3A_178] {strides = array<i32>} : memref<1024xi32, #tpu.memory_space<vmem>>, vector<16xi32>,
      %mul3A_180 = arith.constant 21 : i32
      %mul3A_181 = vector.broadcast %mul3A_180 : i32 to vector<16xi32>
      %mul3A_182 = arith.muli %get3A_177, %mul3A_181 : vector<16xi32>
      %add3A_183 = arith.addi %mul3A_182, %get3A_179 : vector<16xi32>
      %mul3A_184 = arith.constant 16 : i32
      %mul3A_185 = vector.broadcast %mul3A_184 : i32 to vector<16xi32>
      %mul3A_186 = arith.muli %add3A_183, %mul3A_185 : vector<16xi32>
      %add3A_187 = arith.addi %mul3A_186, %iota3A : vector<16xi32>
      tpu.vector_store_idx %arg5[%add3A_187], %broadcast_in_dim3A_3 {add = true} : memref<7056xf32, #tpu.memory_space<vmem>>[vector<16xi32>], vector<16xf32>,
      %get3A_188 = arith.constant 448 : index
      %get3A_189 = tpu.vector_load %arg4[%get3A_188] {strides = array<i32>} : memref<1024xi32, #tpu.memory_space<vmem>>, vector<16xi32>,
      %get3A_190 = arith.constant 464 : index
      %get3A_191 = tpu.vector_load %arg4[%get3A_190] {strides = array<i32>} : memref<1024xi32, #tpu.memory_space<vmem>>, vector<16xi32>,
      %mul3A_192 = arith.constant 21 : i32
      %mul3A_193 = vector.broadcast %mul3A_192 : i32 to vector<16xi32>
      %mul3A_194 = arith.muli %get3A_189, %mul3A_193 : vector<16xi32>
      %add3A_195 = arith.addi %mul3A_194, %get3A_191 : vector<16xi32>
      %mul3A_196 = arith.constant 16 : i32
      %mul3A_197 = vector.broadcast %mul3A_196 : i32 to vector<16xi32>
      %mul3A_198 = arith.muli %add3A_195, %mul3A_197 : vector<16xi32>
      %add3A_199 = arith.addi %mul3A_198, %iota3A : vector<16xi32>
      tpu.vector_store_idx %arg5[%add3A_199], %broadcast_in_dim3A_3 {add = true} : memref<7056xf32, #tpu.memory_space<vmem>>[vector<16xi32>], vector<16xf32>,
      %get3A_200 = arith.constant 480 : index
      %get3A_201 = tpu.vector_load %arg4[%get3A_200] {strides = array<i32>} : memref<1024xi32, #tpu.memory_space<vmem>>, vector<16xi32>,
      %get3A_202 = arith.constant 496 : index
      %get3A_203 = tpu.vector_load %arg4[%get3A_202] {strides = array<i32>} : memref<1024xi32, #tpu.memory_space<vmem>>, vector<16xi32>,
      %mul3A_204 = arith.constant 21 : i32
      %mul3A_205 = vector.broadcast %mul3A_204 : i32 to vector<16xi32>
      %mul3A_206 = arith.muli %get3A_201, %mul3A_205 : vector<16xi32>
      %add3A_207 = arith.addi %mul3A_206, %get3A_203 : vector<16xi32>
      %mul3A_208 = arith.constant 16 : i32
      %mul3A_209 = vector.broadcast %mul3A_208 : i32 to vector<16xi32>
      %mul3A_210 = arith.muli %add3A_207, %mul3A_209 : vector<16xi32>
      %add3A_211 = arith.addi %mul3A_210, %iota3A : vector<16xi32>
      tpu.vector_store_idx %arg5[%add3A_211], %broadcast_in_dim3A_3 {add = true} : memref<7056xf32, #tpu.memory_space<vmem>>[vector<16xi32>], vector<16xf32>,
      %get3A_212 = arith.constant 512 : index
      %get3A_213 = tpu.vector_load %arg4[%get3A_212] {strides = array<i32>} : memref<1024xi32, #tpu.memory_space<vmem>>, vector<16xi32>,
      %get3A_214 = arith.constant 528 : index
      %get3A_215 = tpu.vector_load %arg4[%get3A_214] {strides = array<i32>} : memref<1024xi32, #tpu.memory_space<vmem>>, vector<16xi32>,
      %mul3A_216 = arith.constant 21 : i32
      %mul3A_217 = vector.broadcast %mul3A_216 : i32 to vector<16xi32>
      %mul3A_218 = arith.muli %get3A_213, %mul3A_217 : vector<16xi32>
      %add3A_219 = arith.addi %mul3A_218, %get3A_215 : vector<16xi32>
      %mul3A_220 = arith.constant 16 : i32
      %mul3A_221 = vector.broadcast %mul3A_220 : i32 to vector<16xi32>
      %mul3A_222 = arith.muli %add3A_219, %mul3A_221 : vector<16xi32>
      %add3A_223 = arith.addi %mul3A_222, %iota3A : vector<16xi32>
      tpu.vector_store_idx %arg5[%add3A_223], %broadcast_in_dim3A_3 {add = true} : memref<7056xf32, #tpu.memory_space<vmem>>[vector<16xi32>], vector<16xf32>,
      %get3A_224 = arith.constant 544 : index
      %get3A_225 = tpu.vector_load %arg4[%get3A_224] {strides = array<i32>} : memref<1024xi32, #tpu.memory_space<vmem>>, vector<16xi32>,
      %get3A_226 = arith.constant 560 : index
      %get3A_227 = tpu.vector_load %arg4[%get3A_226] {strides = array<i32>} : memref<1024xi32, #tpu.memory_space<vmem>>, vector<16xi32>,
      %mul3A_228 = arith.constant 21 : i32
      %mul3A_229 = vector.broadcast %mul3A_228 : i32 to vector<16xi32>
      %mul3A_230 = arith.muli %get3A_225, %mul3A_229 : vector<16xi32>
      %add3A_231 = arith.addi %mul3A_230, %get3A_227 : vector<16xi32>
      %mul3A_232 = arith.constant 16 : i32
      %mul3A_233 = vector.broadcast %mul3A_232 : i32 to vector<16xi32>
      %mul3A_234 = arith.muli %add3A_231, %mul3A_233 : vector<16xi32>
      %add3A_235 = arith.addi %mul3A_234, %iota3A : vector<16xi32>
      tpu.vector_store_idx %arg5[%add3A_235], %broadcast_in_dim3A_3 {add = true} : memref<7056xf32, #tpu.memory_space<vmem>>[vector<16xi32>], vector<16xf32>,
      %get3A_236 = arith.constant 576 : index
      %get3A_237 = tpu.vector_load %arg4[%get3A_236] {strides = array<i32>} : memref<1024xi32, #tpu.memory_space<vmem>>, vector<16xi32>,
      %get3A_238 = arith.constant 592 : index
      %get3A_239 = tpu.vector_load %arg4[%get3A_238] {strides = array<i32>} : memref<1024xi32, #tpu.memory_space<vmem>>, vector<16xi32>,
      %mul3A_240 = arith.constant 21 : i32
      %mul3A_241 = vector.broadcast %mul3A_240 : i32 to vector<16xi32>
      %mul3A_242 = arith.muli %get3A_237, %mul3A_241 : vector<16xi32>
      %add3A_243 = arith.addi %mul3A_242, %get3A_239 : vector<16xi32>
      %mul3A_244 = arith.constant 16 : i32
      %mul3A_245 = vector.broadcast %mul3A_244 : i32 to vector<16xi32>
      %mul3A_246 = arith.muli %add3A_243, %mul3A_245 : vector<16xi32>
      %add3A_247 = arith.addi %mul3A_246, %iota3A : vector<16xi32>
      tpu.vector_store_idx %arg5[%add3A_247], %broadcast_in_dim3A_3 {add = true} : memref<7056xf32, #tpu.memory_space<vmem>>[vector<16xi32>], vector<16xf32>,
      %get3A_248 = arith.constant 608 : index
      %get3A_249 = tpu.vector_load %arg4[%get3A_248] {strides = array<i32>} : memref<1024xi32, #tpu.memory_space<vmem>>, vector<16xi32>,
      %get3A_250 = arith.constant 624 : index
      %get3A_251 = tpu.vector_load %arg4[%get3A_250] {strides = array<i32>} : memref<1024xi32, #tpu.memory_space<vmem>>, vector<16xi32>,
      %mul3A_252 = arith.constant 21 : i32
      %mul3A_253 = vector.broadcast %mul3A_252 : i32 to vector<16xi32>
      %mul3A_254 = arith.muli %get3A_249, %mul3A_253 : vector<16xi32>
      %add3A_255 = arith.addi %mul3A_254, %get3A_251 : vector<16xi32>
      %mul3A_256 = arith.constant 16 : i32
      %mul3A_257 = vector.broadcast %mul3A_256 : i32 to vector<16xi32>
      %mul3A_258 = arith.muli %add3A_255, %mul3A_257 : vector<16xi32>
      %add3A_259 = arith.addi %mul3A_258, %iota3A : vector<16xi32>
      tpu.vector_store_idx %arg5[%add3A_259], %broadcast_in_dim3A_3 {add = true} : memref<7056xf32, #tpu.memory_space<vmem>>[vector<16xi32>], vector<16xf32>,
      %get3A_260 = arith.constant 640 : index
      %get3A_261 = tpu.vector_load %arg4[%get3A_260] {strides = array<i32>} : memref<1024xi32, #tpu.memory_space<vmem>>, vector<16xi32>,
      %get3A_262 = arith.constant 656 : index
      %get3A_263 = tpu.vector_load %arg4[%get3A_262] {strides = array<i32>} : memref<1024xi32, #tpu.memory_space<vmem>>, vector<16xi32>,
      %mul3A_264 = arith.constant 21 : i32
      %mul3A_265 = vector.broadcast %mul3A_264 : i32 to vector<16xi32>
      %mul3A_266 = arith.muli %get3A_261, %mul3A_265 : vector<16xi32>
      %add3A_267 = arith.addi %mul3A_266, %get3A_263 : vector<16xi32>
      %mul3A_268 = arith.constant 16 : i32
      %mul3A_269 = vector.broadcast %mul3A_268 : i32 to vector<16xi32>
      %mul3A_270 = arith.muli %add3A_267, %mul3A_269 : vector<16xi32>
      %add3A_271 = arith.addi %mul3A_270, %iota3A : vector<16xi32>
      tpu.vector_store_idx %arg5[%add3A_271], %broadcast_in_dim3A_3 {add = true} : memref<7056xf32, #tpu.memory_space<vmem>>[vector<16xi32>], vector<16xf32>,
      %get3A_272 = arith.constant 672 : index
      %get3A_273 = tpu.vector_load %arg4[%get3A_272] {strides = array<i32>} : memref<1024xi32, #tpu.memory_space<vmem>>, vector<16xi32>,
      %get3A_274 = arith.constant 688 : index
      %get3A_275 = tpu.vector_load %arg4[%get3A_274] {strides = array<i32>} : memref<1024xi32, #tpu.memory_space<vmem>>, vector<16xi32>,
      %mul3A_276 = arith.constant 21 : i32
      %mul3A_277 = vector.broadcast %mul3A_276 : i32 to vector<16xi32>
      %mul3A_278 = arith.muli %get3A_273, %mul3A_277 : vector<16xi32>
      %add3A_279 = arith.addi %mul3A_278, %get3A_275 : vector<16xi32>
      %mul3A_280 = arith.constant 16 : i32
      %mul3A_281 = vector.broadcast %mul3A_280 : i32 to vector<16xi32>
      %mul3A_282 = arith.muli %add3A_279, %mul3A_281 : vector<16xi32>
      %add3A_283 = arith.addi %mul3A_282, %iota3A : vector<16xi32>
      tpu.vector_store_idx %arg5[%add3A_283], %broadcast_in_dim3A_3 {add = true} : memref<7056xf32, #tpu.memory_space<vmem>>[vector<16xi32>], vector<16xf32>,
      %get3A_284 = arith.constant 704 : index
      %get3A_285 = tpu.vector_load %arg4[%get3A_284] {strides = array<i32>} : memref<1024xi32, #tpu.memory_space<vmem>>, vector<16xi32>,
      %get3A_286 = arith.constant 720 : index
      %get3A_287 = tpu.vector_load %arg4[%get3A_286] {strides = array<i32>} : memref<1024xi32, #tpu.memory_space<vmem>>, vector<16xi32>,
      %mul3A_288 = arith.constant 21 : i32
      %mul3A_289 = vector.broadcast %mul3A_288 : i32 to vector<16xi32>
      %mul3A_290 = arith.muli %get3A_285, %mul3A_289 : vector<16xi32>
      %add3A_291 = arith.addi %mul3A_290, %get3A_287 : vector<16xi32>
      %mul3A_292 = arith.constant 16 : i32
      %mul3A_293 = vector.broadcast %mul3A_292 : i32 to vector<16xi32>
      %mul3A_294 = arith.muli %add3A_291, %mul3A_293 : vector<16xi32>
      %add3A_295 = arith.addi %mul3A_294, %iota3A : vector<16xi32>
      tpu.vector_store_idx %arg5[%add3A_295], %broadcast_in_dim3A_3 {add = true} : memref<7056xf32, #tpu.memory_space<vmem>>[vector<16xi32>], vector<16xf32>,
      %get3A_296 = arith.constant 736 : index
      %get3A_297 = tpu.vector_load %arg4[%get3A_296] {strides = array<i32>} : memref<1024xi32, #tpu.memory_space<vmem>>, vector<16xi32>,
      %get3A_298 = arith.constant 752 : index
      %get3A_299 = tpu.vector_load %arg4[%get3A_298] {strides = array<i32>} : memref<1024xi32, #tpu.memory_space<vmem>>, vector<16xi32>,
      %mul3A_300 = arith.constant 21 : i32
      %mul3A_301 = vector.broadcast %mul3A_300 : i32 to vector<16xi32>
      %mul3A_302 = arith.muli %get3A_297, %mul3A_301 : vector<16xi32>
      %add3A_303 = arith.addi %mul3A_302, %get3A_299 : vector<16xi32>
      %mul3A_304 = arith.constant 16 : i32
      %mul3A_305 = vector.broadcast %mul3A_304 : i32 to vector<16xi32>
      %mul3A_306 = arith.muli %add3A_303, %mul3A_305 : vector<16xi32>
      %add3A_307 = arith.addi %mul3A_306, %iota3A : vector<16xi32>
      tpu.vector_store_idx %arg5[%add3A_307], %broadcast_in_dim3A_3 {add = true} : memref<7056xf32, #tpu.memory_space<vmem>>[vector<16xi32>], vector<16xf32>,
      %get3A_308 = arith.constant 768 : index
      %get3A_309 = tpu.vector_load %arg4[%get3A_308] {strides = array<i32>} : memref<1024xi32, #tpu.memory_space<vmem>>, vector<16xi32>,
      %get3A_310 = arith.constant 784 : index
      %get3A_311 = tpu.vector_load %arg4[%get3A_310] {strides = array<i32>} : memref<1024xi32, #tpu.memory_space<vmem>>, vector<16xi32>,
      %mul3A_312 = arith.constant 21 : i32
      %mul3A_313 = vector.broadcast %mul3A_312 : i32 to vector<16xi32>
      %mul3A_314 = arith.muli %get3A_309, %mul3A_313 : vector<16xi32>
      %add3A_315 = arith.addi %mul3A_314, %get3A_311 : vector<16xi32>
      %mul3A_316 = arith.constant 16 : i32
      %mul3A_317 = vector.broadcast %mul3A_316 : i32 to vector<16xi32>
      %mul3A_318 = arith.muli %add3A_315, %mul3A_317 : vector<16xi32>
      %add3A_319 = arith.addi %mul3A_318, %iota3A : vector<16xi32>
      tpu.vector_store_idx %arg5[%add3A_319], %broadcast_in_dim3A_3 {add = true} : memref<7056xf32, #tpu.memory_space<vmem>>[vector<16xi32>], vector<16xf32>,
      %get3A_320 = arith.constant 800 : index
      %get3A_321 = tpu.vector_load %arg4[%get3A_320] {strides = array<i32>} : memref<1024xi32, #tpu.memory_space<vmem>>, vector<16xi32>,
      %get3A_322 = arith.constant 816 : index
      %get3A_323 = tpu.vector_load %arg4[%get3A_322] {strides = array<i32>} : memref<1024xi32, #tpu.memory_space<vmem>>, vector<16xi32>,
      %mul3A_324 = arith.constant 21 : i32
      %mul3A_325 = vector.broadcast %mul3A_324 : i32 to vector<16xi32>
      %mul3A_326 = arith.muli %get3A_321, %mul3A_325 : vector<16xi32>
      %add3A_327 = arith.addi %mul3A_326, %get3A_323 : vector<16xi32>
      %mul3A_328 = arith.constant 16 : i32
      %mul3A_329 = vector.broadcast %mul3A_328 : i32 to vector<16xi32>
      %mul3A_330 = arith.muli %add3A_327, %mul3A_329 : vector<16xi32>
      %add3A_331 = arith.addi %mul3A_330, %iota3A : vector<16xi32>
      tpu.vector_store_idx %arg5[%add3A_331], %broadcast_in_dim3A_3 {add = true} : memref<7056xf32, #tpu.memory_space<vmem>>[vector<16xi32>], vector<16xf32>,
      %get3A_332 = arith.constant 832 : index
      %get3A_333 = tpu.vector_load %arg4[%get3A_332] {strides = array<i32>} : memref<1024xi32, #tpu.memory_space<vmem>>, vector<16xi32>,
      %get3A_334 = arith.constant 848 : index
      %get3A_335 = tpu.vector_load %arg4[%get3A_334] {strides = array<i32>} : memref<1024xi32, #tpu.memory_space<vmem>>, vector<16xi32>,
      %mul3A_336 = arith.constant 21 : i32
      %mul3A_337 = vector.broadcast %mul3A_336 : i32 to vector<16xi32>
      %mul3A_338 = arith.muli %get3A_333, %mul3A_337 : vector<16xi32>
      %add3A_339 = arith.addi %mul3A_338, %get3A_335 : vector<16xi32>
      %mul3A_340 = arith.constant 16 : i32
      %mul3A_341 = vector.broadcast %mul3A_340 : i32 to vector<16xi32>
      %mul3A_342 = arith.muli %add3A_339, %mul3A_341 : vector<16xi32>
      %add3A_343 = arith.addi %mul3A_342, %iota3A : vector<16xi32>
      tpu.vector_store_idx %arg5[%add3A_343], %broadcast_in_dim3A_3 {add = true} : memref<7056xf32, #tpu.memory_space<vmem>>[vector<16xi32>], vector<16xf32>,
      %get3A_344 = arith.constant 864 : index
      %get3A_345 = tpu.vector_load %arg4[%get3A_344] {strides = array<i32>} : memref<1024xi32, #tpu.memory_space<vmem>>, vector<16xi32>,
      %get3A_346 = arith.constant 880 : index
      %get3A_347 = tpu.vector_load %arg4[%get3A_346] {strides = array<i32>} : memref<1024xi32, #tpu.memory_space<vmem>>, vector<16xi32>,
      %mul3A_348 = arith.constant 21 : i32
      %mul3A_349 = vector.broadcast %mul3A_348 : i32 to vector<16xi32>
      %mul3A_350 = arith.muli %get3A_345, %mul3A_349 : vector<16xi32>
      %add3A_351 = arith.addi %mul3A_350, %get3A_347 : vector<16xi32>
      %mul3A_352 = arith.constant 16 : i32
      %mul3A_353 = vector.broadcast %mul3A_352 : i32 to vector<16xi32>
      %mul3A_354 = arith.muli %add3A_351, %mul3A_353 : vector<16xi32>
      %add3A_355 = arith.addi %mul3A_354, %iota3A : vector<16xi32>
      tpu.vector_store_idx %arg5[%add3A_355], %broadcast_in_dim3A_3 {add = true} : memref<7056xf32, #tpu.memory_space<vmem>>[vector<16xi32>], vector<16xf32>,
      %get3A_356 = arith.constant 896 : index
      %get3A_357 = tpu.vector_load %arg4[%get3A_356] {strides = array<i32>} : memref<1024xi32, #tpu.memory_space<vmem>>, vector<16xi32>,
      %get3A_358 = arith.constant 912 : index
      %get3A_359 = tpu.vector_load %arg4[%get3A_358] {strides = array<i32>} : memref<1024xi32, #tpu.memory_space<vmem>>, vector<16xi32>,
      %mul3A_360 = arith.constant 21 : i32
      %mul3A_361 = vector.broadcast %mul3A_360 : i32 to vector<16xi32>
      %mul3A_362 = arith.muli %get3A_357, %mul3A_361 : vector<16xi32>
      %add3A_363 = arith.addi %mul3A_362, %get3A_359 : vector<16xi32>
      %mul3A_364 = arith.constant 16 : i32
      %mul3A_365 = vector.broadcast %mul3A_364 : i32 to vector<16xi32>
      %mul3A_366 = arith.muli %add3A_363, %mul3A_365 : vector<16xi32>
      %add3A_367 = arith.addi %mul3A_366, %iota3A : vector<16xi32>
      tpu.vector_store_idx %arg5[%add3A_367], %broadcast_in_dim3A_3 {add = true} : memref<7056xf32, #tpu.memory_space<vmem>>[vector<16xi32>], vector<16xf32>,
      %get3A_368 = arith.constant 928 : index
      %get3A_369 = tpu.vector_load %arg4[%get3A_368] {strides = array<i32>} : memref<1024xi32, #tpu.memory_space<vmem>>, vector<16xi32>,
      %get3A_370 = arith.constant 944 : index
      %get3A_371 = tpu.vector_load %arg4[%get3A_370] {strides = array<i32>} : memref<1024xi32, #tpu.memory_space<vmem>>, vector<16xi32>,
      %mul3A_372 = arith.constant 21 : i32
      %mul3A_373 = vector.broadcast %mul3A_372 : i32 to vector<16xi32>
      %mul3A_374 = arith.muli %get3A_369, %mul3A_373 : vector<16xi32>
      %add3A_375 = arith.addi %mul3A_374, %get3A_371 : vector<16xi32>
      %mul3A_376 = arith.constant 16 : i32
      %mul3A_377 = vector.broadcast %mul3A_376 : i32 to vector<16xi32>
      %mul3A_378 = arith.muli %add3A_375, %mul3A_377 : vector<16xi32>
      %add3A_379 = arith.addi %mul3A_378, %iota3A : vector<16xi32>
      tpu.vector_store_idx %arg5[%add3A_379], %broadcast_in_dim3A_3 {add = true} : memref<7056xf32, #tpu.memory_space<vmem>>[vector<16xi32>], vector<16xf32>,
      %get3A_380 = arith.constant 960 : index
      %get3A_381 = tpu.vector_load %arg4[%get3A_380] {strides = array<i32>} : memref<1024xi32, #tpu.memory_space<vmem>>, vector<16xi32>,
      %get3A_382 = arith.constant 976 : index
      %get3A_383 = tpu.vector_load %arg4[%get3A_382] {strides = array<i32>} : memref<1024xi32, #tpu.memory_space<vmem>>, vector<16xi32>,
      %mul3A_384 = arith.constant 21 : i32
      %mul3A_385 = vector.broadcast %mul3A_384 : i32 to vector<16xi32>
      %mul3A_386 = arith.muli %get3A_381, %mul3A_385 : vector<16xi32>
      %add3A_387 = arith.addi %mul3A_386, %get3A_383 : vector<16xi32>
      %mul3A_388 = arith.constant 16 : i32
      %mul3A_389 = vector.broadcast %mul3A_388 : i32 to vector<16xi32>
      %mul3A_390 = arith.muli %add3A_387, %mul3A_389 : vector<16xi32>
      %add3A_391 = arith.addi %mul3A_390, %iota3A : vector<16xi32>
      tpu.vector_store_idx %arg5[%add3A_391], %broadcast_in_dim3A_3 {add = true} : memref<7056xf32, #tpu.memory_space<vmem>>[vector<16xi32>], vector<16xf32>,
      %get3A_392 = arith.constant 992 : index
      %get3A_393 = tpu.vector_load %arg4[%get3A_392] {strides = array<i32>} : memref<1024xi32, #tpu.memory_space<vmem>>, vector<16xi32>,
      %get3A_394 = arith.constant 1008 : index
      %get3A_395 = tpu.vector_load %arg4[%get3A_394] {strides = array<i32>} : memref<1024xi32, #tpu.memory_space<vmem>>, vector<16xi32>,
      %mul3A_396 = arith.constant 21 : i32
      %mul3A_397 = vector.broadcast %mul3A_396 : i32 to vector<16xi32>
      %mul3A_398 = arith.muli %get3A_393, %mul3A_397 : vector<16xi32>
      %add3A_399 = arith.addi %mul3A_398, %get3A_395 : vector<16xi32>
      %mul3A_400 = arith.constant 16 : i32
      %mul3A_401 = vector.broadcast %mul3A_400 : i32 to vector<16xi32>
      %mul3A_402 = arith.muli %add3A_399, %mul3A_401 : vector<16xi32>
      %add3A_403 = arith.addi %mul3A_402, %iota3A : vector<16xi32>
      tpu.vector_store_idx %arg5[%add3A_403], %broadcast_in_dim3A_3 {add = true} : memref<7056xf32, #tpu.memory_space<vmem>>[vector<16xi32>], vector<16xf32>,
    }
    %scan3A_16 = arith.constant 64 : i32
    "tpu.region"() ({
      %run_scoped3A = tpu.sem_alloc : memref<!tpu.dma_semaphore, #tpu.memory_space<semaphore_mem>>
      %dma_start3A = arith.constant 0 : i32
      %dma_start3A_17 = tpu.memref_slice %arg3[%add3A, %dma_start3A] : memref<32x7056xf32, #tpu.memory_space<hbm>> -> memref<1x7056xf32, #tpu.memory_space<hbm>>
      %dma_start3A_18 = tpu.memref_squeeze %dma_start3A_17 : memref<1x7056xf32, #tpu.memory_space<hbm>> -> memref<7056xf32, #tpu.memory_space<hbm>>
      %dma_start3A_19 = arith.constant 0 : i32
      %dma_start3A_20 = tpu.memref_slice %arg3[%add3A, %dma_start3A_19] : memref<32x7056xf32, #tpu.memory_space<hbm>> -> memref<1x7056xf32, #tpu.memory_space<hbm>>
      %dma_start3A_21 = tpu.memref_squeeze %dma_start3A_20 : memref<1x7056xf32, #tpu.memory_space<hbm>> -> memref<7056xf32, #tpu.memory_space<hbm>>
      tpu.enqueue_dma source(%arg5 : memref<7056xf32, #tpu.memory_space<vmem>>) target(%dma_start3A_21 : memref<7056xf32, #tpu.memory_space<hbm>>) target_semaphore(%run_scoped3A : memref<!tpu.dma_semaphore, #tpu.memory_space<semaphore_mem>>)
      %dma_wait3A = arith.constant 0 : i32
      %dma_wait3A_22 = tpu.memref_slice %arg3[%add3A, %dma_wait3A] : memref<32x7056xf32, #tpu.memory_space<hbm>> -> memref<1x7056xf32, #tpu.memory_space<hbm>>
      %dma_wait3A_23 = tpu.memref_squeeze %dma_wait3A_22 : memref<1x7056xf32, #tpu.memory_space<hbm>> -> memref<7056xf32, #tpu.memory_space<hbm>>
      %dma_wait3A_24 = arith.constant 0 : i32
      %dma_wait3A_25 = tpu.memref_slice %arg3[%add3A, %dma_wait3A_24] : memref<32x7056xf32, #tpu.memory_space<hbm>> -> memref<1x7056xf32, #tpu.memory_space<hbm>>
      %dma_wait3A_26 = tpu.memref_squeeze %dma_wait3A_25 : memref<1x7056xf32, #tpu.memory_space<hbm>> -> memref<7056xf32, #tpu.memory_space<hbm>>
      tpu.wait_dma2 semaphore(%run_scoped3A : memref<!tpu.dma_semaphore, #tpu.memory_space<semaphore_mem>>) src(%arg5 : memref<7056xf32, #tpu.memory_space<vmem>>) dst(%dma_wait3A_26 : memref<7056xf32, #tpu.memory_space<hbm>>)
      tpu.yield
    }) : () -> ()
    return
  }
}

module attributes {stable_mosaic.version = 14 : i64} {
  func.func @_tc_body(%arg0: i32, %arg1: i32, %arg2: memref<1x21x1024x128xf32, #tpu.memory_space<vmem>>, %arg3: memref<1x1x1024x128xi32, #tpu.memory_space<vmem>>, %arg4: memref<1x42x128xf32, #tpu.memory_space<vmem>>) attributes {dimension_semantics = [#tpu.dimension_semantics<parallel>, #tpu.dimension_semantics<arbitrary>], iteration_bounds = array<i64: 8, 2>, scalar_prefetch = 0 : i64, scratch_operands = 0 : i64, tpu.core_type = #tpu.core_type<tc>, window_params = [{transform_indices = @transform_0, window_bounds = array<i64: 1, 21, 1024, 128>}, {transform_indices = @transform_1, window_bounds = array<i64: 1, 1, 1024, 128>}, {transform_indices = @transform_2, window_bounds = array<i64: 1, 42, 128>}]} {
    %get3A = arith.constant 0 : index
    %get3A_0 = arith.constant 0 : index
    %get3A_1 = arith.constant 0 : index
    %get3A_2 = arith.constant 0 : index
    %get3A_3 = vector.load %arg2[%get3A, %get3A_0, %get3A_1, %get3A_2] : memref<1x21x1024x128xf32, #tpu.memory_space<vmem>>, vector<1x21x1024x128xf32>
    %get3A_4 = vector.shape_cast %get3A_3 : vector<1x21x1024x128xf32> to vector<21x1024x128xf32>
    %get3A_5 = arith.constant 0 : index
    %get3A_6 = arith.constant 0 : index
    %get3A_7 = arith.constant 0 : index
    %get3A_8 = arith.constant 0 : index
    %get3A_9 = vector.load %arg3[%get3A_5, %get3A_6, %get3A_7, %get3A_8] : memref<1x1x1024x128xi32, #tpu.memory_space<vmem>>, vector<1x1x1024x128xi32>
    %get3A_10 = vector.shape_cast %get3A_9 : vector<1x1x1024x128xi32> to vector<1x1024x128xi32>
    %iota3A = tpu.iota {dimensions = array<i32: 0>} : vector<21x1x1xi32>
    %eq3A = vector.broadcast %iota3A : vector<21x1x1xi32> to vector<21x1024x128xi32>
    %eq3A_11 = vector.broadcast %get3A_10 : vector<1x1024x128xi32> to vector<21x1024x128xi32>
    %eq3A_12 = arith.cmpi eq, %eq3A, %eq3A_11 : vector<21x1024x128xi32>
    %jit3A = arith.constant 0.000000e+00 : f32
    %broadcast_in_dim3A = vector.broadcast %jit3A : f32 to vector<21x1024x128xf32>
    %select_n3A = arith.select %eq3A_12, %get3A_4, %broadcast_in_dim3A : vector<21x1024x128xi1>, vector<21x1024x128xf32>
    %reduce_sum3A = arith.constant dense<0.000000e+00> : vector<21x128xf32>
    %reduce_sum3A_13 = vector.multi_reduction <add>, %select_n3A, %reduce_sum3A [1] : vector<21x1024x128xf32> to vector<21x128xf32>
    %mul3A = arith.mulf %get3A_4, %get3A_4 : vector<21x1024x128xf32>
    %reduce_sum3A_14 = arith.constant dense<0.000000e+00> : vector<21x128xf32>
    %reduce_sum3A_15 = vector.multi_reduction <add>, %mul3A, %reduce_sum3A_14 [1] : vector<21x1024x128xf32> to vector<21x128xf32>
    %concatenate3A = tpu.concatenate %reduce_sum3A_13, %reduce_sum3A_15 in 0 : vector<21x128xf32>, vector<21x128xf32> -> vector<42x128xf32>
    %eq3A_16 = arith.constant 0 : i32
    %eq3A_17 = arith.cmpi eq, %arg1, %eq3A_16 : i32
    %convert_element_type3A = arith.extui %eq3A_17 : i1 to i32
    %cond3A = arith.constant 0 : i32
    %cond3A_18 = arith.cmpi ne, %convert_element_type3A, %cond3A : i32
    scf.if %cond3A_18 {
      %swap3A = arith.constant 0 : index
      %swap3A_23 = arith.constant 0 : index
      %swap3A_24 = arith.constant 0 : index
      %swap3A_25 = vector.load %arg4[%swap3A, %swap3A_23, %swap3A_24] : memref<1x42x128xf32, #tpu.memory_space<vmem>>, vector<1x42x128xf32>
      %swap3A_26 = vector.shape_cast %swap3A_25 : vector<1x42x128xf32> to vector<42x128xf32>
      %swap3A_27 = vector.shape_cast %concatenate3A : vector<42x128xf32> to vector<1x42x128xf32>
      tpu.vector_store %arg4[%swap3A, %swap3A_23, %swap3A_24], %swap3A_27 {strides = array<i32>} : memref<1x42x128xf32, #tpu.memory_space<vmem>>, vector<1x42x128xf32>,
    } else {
    }
    %ne3A = arith.constant 0 : i32
    %ne3A_19 = arith.cmpi ne, %arg1, %ne3A : i32
    %convert_element_type3A_20 = arith.extui %ne3A_19 : i1 to i32
    %cond3A_21 = arith.constant 0 : i32
    %cond3A_22 = arith.cmpi ne, %convert_element_type3A_20, %cond3A_21 : i32
    scf.if %cond3A_22 {
      %get3A_23 = arith.constant 0 : index
      %get3A_24 = arith.constant 0 : index
      %get3A_25 = arith.constant 0 : index
      %get3A_26 = vector.load %arg4[%get3A_23, %get3A_24, %get3A_25] : memref<1x42x128xf32, #tpu.memory_space<vmem>>, vector<1x42x128xf32>
      %get3A_27 = vector.shape_cast %get3A_26 : vector<1x42x128xf32> to vector<42x128xf32>
      %add3A = arith.addf %get3A_27, %concatenate3A : vector<42x128xf32>
      %swap3A = arith.constant 0 : index
      %swap3A_28 = arith.constant 0 : index
      %swap3A_29 = arith.constant 0 : index
      %swap3A_30 = vector.load %arg4[%swap3A, %swap3A_28, %swap3A_29] : memref<1x42x128xf32, #tpu.memory_space<vmem>>, vector<1x42x128xf32>
      %swap3A_31 = vector.shape_cast %swap3A_30 : vector<1x42x128xf32> to vector<42x128xf32>
      %swap3A_32 = vector.shape_cast %add3A : vector<42x128xf32> to vector<1x42x128xf32>
      tpu.vector_store %arg4[%swap3A, %swap3A_28, %swap3A_29], %swap3A_32 {strides = array<i32>} : memref<1x42x128xf32, #tpu.memory_space<vmem>>, vector<1x42x128xf32>,
    } else {
    }
    return
  }
  func.func @transform_0(%arg0: i32, %arg1: i32) -> (i32, i32, i32, i32) {
    %c0_i32 = arith.constant 0 : i32
    %c0_i32_0 = arith.constant 0 : i32
    %c0_i32_1 = arith.constant 0 : i32
    return %arg0, %c0_i32, %arg1, %c0_i32_0 : i32, i32, i32, i32
  }
  func.func @transform_1(%arg0: i32, %arg1: i32) -> (i32, i32, i32, i32) {
    %c0_i32 = arith.constant 0 : i32
    %c0_i32_0 = arith.constant 0 : i32
    %c0_i32_1 = arith.constant 0 : i32
    return %arg0, %c0_i32, %arg1, %c0_i32_0 : i32, i32, i32, i32
  }
  func.func @transform_2(%arg0: i32, %arg1: i32) -> (i32, i32, i32) {
    %c0_i32 = arith.constant 0 : i32
    %c0_i32_0 = arith.constant 0 : i32
    %c0_i32_1 = arith.constant 0 : i32
    return %arg0, %c0_i32, %c0_i32_0 : i32, i32, i32
  }
}

</mosaic_0001>

<sc_bundles>
// kernel: kernel.4.cloned.1.call-start
scs
__scs_entry_jumppad:
0x0: {  	(pc) =	sbr.rel $0x88, $3  }
0x1: {  	(tag) =	ssettag $0x0;
	lr =	simm.s32 $0x1  }
0x2: {  	[smem:$0x3F9F] =	sst lr;
	_ =	strace $0xD0000000  }
0x3: {  	_ = 	snop  }
0x4: {  	_ = 	snop  }
0x5: {  	_ = 	snop  }
0x6: {  	_ = 	snop  }
0x7: {  	_ = 	snop  }
__scs_overlays_trampoline_lowered:
0x8: {  	[smem:$0x3FAE] =	sst s0  }
0x9: {  	[smem:$0x3FAF] =	sst s1  }
0xa: {  	[smem:$0x3FB0] =	sst s2  }
0xb: {  	[smem:$0x3FB1] =	sst s3  }
0xc: {  	[smem:$0x3FB2] =	sst s4  }
0xd: {  	[smem:$0x3FB3] =	sst s5  }
0xe: {  	[smem:$0x3FB4] =	sst s6  }
0xf: {  	[smem:$0x3FB5] =	sst s7  }
0x10: {  	[smem:$0x3FB6] =	sst s8  }
0x11: {  	[smem:$0x3FB7] =	sst s9;
	s0 =	simm.s32 @!p0 $0x0  }
0x12: {  	s1 =	sld [smem:$0x3F9D];
	s0 =	simm.s32 @p0 $0x1  }
0x13: {  	[smem:$0x3FB8] =	sst s0;
	s0 =	simm.s32 @!p1 $0x0  }
0x14: {  	s2 =	sld [smem:$0x3F9C];
	s0 =	simm.s32 @p1 $0x1  }
0x15: {  	[smem:$0x3FB9] =	sst s0;
	s0 =	simm.s32 @!p2 $0x0  }
0x16: {  	s3 =	sld [smem:$0x3FDB];
	s0 =	simm.s32 @p2 $0x1  }
0x17: {  	s4 =	simm.s32 $0x1BF5;
	[smem:$0x3FBB] =	sst s0  }
0x18: {  	s0 =	sld [smem:$0x3F9E];
	_ =	swait.ge [sflag:s4], $0x0  }
0x19: {  	s7 =	sld [smem:$0x3F9F]  }
0x1a: {  	s8 =	sadd.s32 $0xFFFFE003, lr  }
0x1b: {  	s9 =	sadd.s32 $0xFFFFFEF7, lr;
	s5 =	simm.s32 $0xFFFFFFFF;
	p2 =	slt.u32 s8, $0xFFFFF086  }
0x1c: {  	p1 =	slt.u32 s9, $0xF7A;
	s5 =	simm.s32 @!p2 $0x0  }
0x1d: {  	s5 =	simm.s32 @p1 $0x1;
	p0 =	seq.s32 s7, s2  }
0x1e: {  	s7 =	smul.u32 @!p0 $0xF7A, s2;
	p2 =	seq.s32 @!p0 s5, $0x0  }
0x1f: {  	s9 =	smul.u32 $0xF7A, s1;
	s8 =	simm.s32 @!p0 $0x1BF5;
	p2 =	por !p2, p0  }
0x20: {  	[sflag:s8] =	ssyncset.s32 @!p0 $0xFFFFF086;
	s6 =	sadd.s32 @!p0 s3, s7;
	s7 =	simm.s32 @!p0 $0x108  }
0x21: {  	s3 =	sadd.s32 s3, s9;
	s6 =	sadd.s32 @!p0 $0x88, s6;
	s7 =	simm.s32 @p2 $0x1082  }
0x22: {  	[simem:s7], [sflag:s8] =	dma.local @!p0 [hbm:s6], $0xF7A  }
0x23: {  	s9 =	sor.u32 $0xD0000000, s2;
	s6 =	simm.s32 $0x108;
	_ =	swait.ge @!p0 [sflag:s8], $0x0  }
0x24: {  	s3 =	sadd.s32 $0x88, s3;
	s6 =	simm.s32 @!p1 $0x1082;
	[sflag:s4] =	ssyncset.s32 $0xFFFFF086  }
0x25: {  	[simem:s6], [sflag:s4] =	dma.local [hbm:s3], $0xF7A  }
0x26: {  	[smem:$0x3F9F] =	sst s1;
	(tag) =	ssettag s2;
	_ =	strace s9  }
0x27: {  	s1 =	sld [smem:$0x3FAF]  }
0x28: {  	s2 =	sld [smem:$0x3FB0]  }
0x29: {  	s4 =	sld [smem:$0x3FB2]  }
0x2a: {  	p0 =	seq.s32 s5, $0x0;
	s5 =	sld [smem:$0x3FB3]  }
0x2b: {  	s6 =	sld [smem:$0x3FB4]  }
0x2c: {  	s7 =	sld [smem:$0x3FB5]  }
0x2d: {  	s3 =	simm.s32 $0x108;
	s8 =	sld [smem:$0x3FB6]  }
0x2e: {  	s3 =	simm.s32 @!p0 $0x1082;
	s9 =	sld [smem:$0x3FB7]  }
0x2f: {  	lr =	sadd.s32 s0, s3;
	s0 =	sld [smem:$0x3FAE]  }
0x30: {  	s3 =	sld [smem:$0x3FB1]  }
0x31: {  	[smem:$0x3FBA] =	sst s10  }
0x32: {  	s10 =	sld [smem:$0x3FB8];
	_ =	sdelay $0x3  }
0x33: {  	p0 =	seq.s32 s10, $0x1;
	s10 =	sld [smem:$0x3FBA];
	_ =	sdelay $0x3  }
0x34: {  	[smem:$0x3FBA] =	sst s10  }
0x35: {  	s10 =	sld [smem:$0x3FB9];
	_ =	sdelay $0x3  }
0x36: {  	p1 =	seq.s32 s10, $0x1;
	s10 =	sld [smem:$0x3FBA];
	_ =	sdelay $0x3  }
0x37: {  	[smem:$0x3FBA] =	sst s10  }
0x38: {  	s10 =	sld [smem:$0x3FBB]  }
0x39: {  	_ = 	snop;
	(pc) =	sbr.ind lr, $3  }
0x3a: {  	_ = 	snop  }
0x3b: {  	_ = 	snop  }
0x3c: {  	p2 =	seq.s32 s10, $0x1;
	s10 =	sld [smem:$0x3FBA]  }
0x3d: {  	_ =	shalt  }
0x3e: {  	_ =	shalt  }
0x3f: {  	_ =	shalt  }
0x40: {  	_ =	shalt  }
0x41: {  	_ =	shalt  }
0x42: {  	_ =	shalt  }
0x43: {  	_ =	shalt  }
0x44: {  	_ =	shalt  }
0x45: {  	_ =	shalt  }
0x46: {  	_ =	shalt  }
0x47: {  	_ =	shalt  }
0x48: {  	_ =	shalt  }
0x49: {  	_ =	shalt  }
0x4a: {  	_ =	shalt  }
0x4b: {  	_ =	shalt  }
0x4c: {  	_ =	shalt  }
0x4d: {  	_ =	shalt  }
0x4e: {  	_ =	shalt  }
0x4f: {  	_ =	shalt  }
0x50: {  	_ =	shalt  }
0x51: {  	_ =	shalt  }
0x52: {  	_ =	shalt  }
0x53: {  	_ =	shalt  }
0x54: {  	_ =	shalt  }
0x55: {  	_ =	shalt  }
0x56: {  	_ =	shalt  }
0x57: {  	_ =	shalt  }
0x58: {  	_ =	shalt  }
0x59: {  	_ =	shalt  }
0x5a: {  	_ =	shalt  }
0x5b: {  	_ =	shalt  }
0x5c: {  	_ =	shalt  }
0x5d: {  	_ =	shalt  }
0x5e: {  	_ =	shalt  }
0x5f: {  	_ =	shalt  }
0x60: {  	_ =	shalt  }
0x61: {  	_ =	shalt  }
0x62: {  	_ =	shalt  }
0x63: {  	_ =	shalt  }
0x64: {  	_ =	shalt  }
0x65: {  	_ =	shalt  }
0x66: {  	_ =	shalt  }
0x67: {  	_ =	shalt  }
0x68: {  	_ =	shalt  }
0x69: {  	_ =	shalt  }
0x6a: {  	_ =	shalt  }
0x6b: {  	_ =	shalt  }
0x6c: {  	_ =	shalt  }
0x6d: {  	_ =	shalt  }
0x6e: {  	_ =	shalt  }
0x6f: {  	_ =	shalt  }
0x70: {  	_ =	shalt  }
0x71: {  	_ =	shalt  }
0x72: {  	_ =	shalt  }
0x73: {  	_ =	shalt  }
0x74: {  	_ =	shalt  }
0x75: {  	_ =	shalt  }
0x76: {  	_ =	shalt  }
0x77: {  	_ =	shalt  }
0x78: {  	_ =	shalt  }
0x79: {  	_ =	shalt  }
0x7a: {  	_ =	shalt  }
0x7b: {  	_ =	shalt  }
0x7c: {  	_ =	shalt  }
0x7d: {  	_ =	shalt  }
0x7e: {  	_ =	shalt  }
0x7f: {  	_ =	shalt  }
0x80: {  	_ =	shalt  }
0x81: {  	_ =	shalt  }
0x82: {  	_ =	shalt  }
0x83: {  	_ =	shalt  }
0x84: {  	_ =	shalt  }
0x85: {  	_ =	shalt  }
0x86: {  	_ =	shalt  }
0x87: {  	_ =	shalt  }
.Lfunc_end0:
.L_simem_size_0:
called_computation_lowered:
.L_overlay_start_0:
0x88: {  	s2 =	sld [smem:$0x3FD9]  }
0x89: {  	s3 =	sld [smem:$0x3FFE];
	_ =	sdelay $0x1  }
0x8a: {  	s1 =	srdreg.scid  }
0x8b: {  	s0 =	sand.u32 $0x1, s1  }
0x8c: {  	s16 =	sshll.u32 s0, $0xA;
	s2 =	sadd.s32 s3, s2  }
0x8d: {  	s2 =	sadd.s32 s2, s16  }
0x8e: {  	[smem:$0x3FC6] =	sst s2  }
0x8f: {  	_ = 	snop  }
0x90: {  	(tm) =	ssettm $0x1  }
0x91: {  	s17 =	sld [smem:$0x3FFB];
	_ =	sdelay $0x3  }
0x92: {  	_ =	strace s17  }
0x93: {  	s2 =	sld [smem:$0x3FFC];
	_ =	sdelay $0x3  }
0x94: {  	_ =	strace s2  }
0x95: {  	s2 =	sld [smem:$0x3FFD];
	_ =	sdelay $0x3  }
0x96: {  	_ =	strace s2  }
0x97: {  	_ =	strace $0x8FFFFFFF  }
0x98: {  	s18 =	sld [smem:$0x3FDB];
	_ =	sdelay $0x1  }
0x99: {  	s19 =	simm.s32 $_scs_section_size  }
0x9a: {  	s4 =	simm.s32 $_size__tile_overlayer_lowered;
	s5 =	simm.s32 $_tile_overlayer_lowered  }
0x9b: {  	s22 =	simm.s32 $0x1BFF;
	s21 =	sshll.u32 s5, $0x1;
	s2 =	sadd.s32 s19, s18  }
0x9c: {  	s6 =	simm.s32 $0x0;
	s20 =	sshll.u32 s4, $0x1;
	s4 =	sadd.s32 s21, s2  }
0x9d: {  	[timem:s6], [sflag:s22] =	dma.local [hbm:s4], s20  }
0x9e: {  	_ =	swait.ge [sflag:s22], s20  }
0x9f: {  	s3 =	ssub.s32 $0x0, s20;
	[sflag:s22] =	ssyncset.done $0x0  }
0xa0: {  	[sflag:s22] =	ssyncadd.s32 s3;
	_ =	sdelay $0x1  }
0xa1: {  	s23 =	simm.s32 $0x1B8B  }
0xa2: {  	_ =	swait.ge [sflag:s23], $0x1  }
0xa3: {  	[sflag:s23] =	ssyncset.done $0x0  }
0xa4: {  	s25 =	simm.s32 $0x1B8E;
	s24 =	sld [smem:$0x3FFE];
	[sflag:s23] =	ssyncadd.s32 $0xFFFFFFFF  }
0xa5: {  	s26 =	simm.s32 $execute0_lowered;
	[smem:$0x3FD2] =	sst s25  }
0xa6: {  	s4 =	sshll.u32 s26, $0x1;
	_ =	strace $0x80000046;
	[dreg:$0x1] =	wrdreg $0xFFFFFFFF  }
0xa7: {  	s28 =	simm.s32 $_size_execute0_lowered;
	s2 =	sadd.s32 s2, s4;
	[dreg:$0x0] =	wrdreg $0x0  }
0xa8: {  	s4 =	sshll.u32 s28, $0x1;
	[dreg:$0x2] =	wrdreg s2  }
0xa9: {  	[dreg:$0x3] =	wrdreg s4  }
0xaa: {  	[dreg:$0x4] =	wrdreg $0xC0  }
0xab: {  	_ =	task [dreg:s6], $0x5FFFF  }
0xac: {  	[dreg:$0x1] =	wrdreg $0xFFFFFFFF  }
0xad: {  	[dreg:$0x0] =	wrdreg $0x60  }
0xae: {  	[dreg:$0x2] =	wrdreg s24  }
0xaf: {  	[dreg:$0x3] =	wrdreg $0x9  }
0xb0: {  	_ =	task.clear_ibuf [dreg:s6], $0x4FFFF;
	_ =	strace $0x90000046  }
0xb1: {  	s29 =	simm.s32 $0x9;
	_ =	strace $0x80000048  }
0xb2: {  	_ =	swait.ge [sflag:s29], $0x1  }
0xb3: {  	[sflag:s29] =	ssyncadd.s32 $0xFFFFFFFF  }
0xb4: {  	_ =	strace $0x90000048  }
0xb5: {  	_ =	sfence  }
0xb6: {  	s30 =	sld [smem:$0x0];
	_ =	sdelay $0x2  }
0xb7: {  	s31 =	sshll.u32 s1, $0xD;
	s1 =	sshrl.u32 s1, $0x2  }
0xb8: {  	s3 =	sand.u32 $0x4000, s31;
	s1 =	sadd.s32 s1, s30  }
0xb9: {  	s0 =	sor.u32 s3, s0;
	s1 =	sshll.u32 s1, $0x11  }
0xba: {  	s0 =	sor.u32 s1, s0  }
0xbb: {  	s0 =	sadd.s32 $0x8F2B, s0  }
0xbc: {  	[sflag:s0] =	ssyncadd.remote.s32 $0x1  }
0xbd: {  	_ =	sfence.sel $0xFFFF  }
0xbe: {  	[dreg:$0x0] =	wrdreg $0xFFFFFFFF;
	(pc) =	sbr.abs _section_cstart, $3  }
0xbf: {  	[dreg:$0x1] =	wrdreg $0xFFFFFFFF  }
0xc0: {  	_ =	task.clear_ibuf [dreg:s6], $0x2FFFF;
	_ =	strace $0x9FFFFFFF  }
0xc1: {  	(tm) =	ssettm $0x7FFFFFFF  }
tec
execute0_lowered:
.L_overlay_start_1:
0x0: {  	(tag) =	ssettag $0x1  }
0x1: {  	s1 =	srdreg.scid  }
0x2: {  	s0 =	stileid.u32;
	s5 =	rddreg [dreg:$0x0]  }
0x3: {  	s8 =	simm.s32 $0x80;
	s9 =	simm.s32 $0x0;
	s4 =	sand.u32 $0x1, s1  }
0x4: {  	s28 =	sshrl.u32 s0, $0x2;
	s2 =	sshll.u32 s0, $0x8;
	s1 =	rddreg [dreg:$0x1]  }
0x5: {  	s30 =	sshll.u32 s0, $0xE;
	s3 =	sshll.u32 s4, $0x7;
	s6 =	smul.u32 $0xE000, s28  }
0x6: {  	s29 =	ssub.s32 $0x2, s4;
	s3 =	sor.u32 s3, s2;
	s2 =	simm.s32 $0x0  }
0x7: {  	s31 =	sshll.u32 s4, $0xD;
	s3 =	sand.u32 $0x380, s3;
	[smem:$0x7FF] =	sst s2  }
0x8: {  	s7 =	sshrl.u32 s29, $0x1;
	s3 =	sor.u32 s6, s3;
	_ =	strace $0x80000047  }
0x9: {  	s6 =	ssub.s32 s29, s7;
	s7 =	simm.s32 $0x400;
	s3 =	sshrl.u32 s3, $0x3  }
0xa: {  	s4 =	smax.u32 s6, $0x1;
	s3 =	sadd.s32 s3, s5;
	s5 =	sadd.s32 s30, s5  }
0xb: {  	v0 =	vimm.f32 $0.0e+00;
	v1 =	vlaneseq.u32;
	v2 =	vimm.f32 $1.000000000e+00;
	s6 =	simm.s32 $0x1;
	s3 =	sadd.s32 $0x40000, s3;
	s5 =	sadd.s32 s31, s5  }
.LBB2_1:
0xc: {  	s10 =	simm.s32 $0x0  }
.LBB2_2:
0xd: {  	p0 =	sne.s32 s10, $0x6E00  }
.Ltmp0:
0xe: {  	_ = 	snop;
	(pc) =	sbr.rel @p0 .LBB2_2-.Ltmp0, $3  }
0xf: {  	_ =	sdelay $0x1  }
0x10: {  	s11 =	sshra.s32 s10, $0x2  }
0x11: {  	s10 =	sadd.s32 $0x40, s10;
	[tilespmem:s11+$0x400] =	vst v0  }
0x12: {  	s10 =	simm.s32 $0x0  }
.LBB2_4:
0x13: {  	s11 =	sadd.s32 s10, s5  }
0x14: {  	[tilespmem:s2], [sflag:$0x1] =	stream.linear.gather [hbm4b:s11+s2], $0x400, $0x38;
	[tilespmem:$0x2000] =	vst v63  }
0x15: {  	_ =	swait.ge [sflag:s6], $0x400  }
0x16: {  	[sflag:s6] =	ssyncset.done $0x0  }
0x17: {  	[sflag:s6] =	ssyncadd.s32 $0xFFFFFC00  }
0x18: {  	v3 =	vld [tilespmem:$0x0];
	_ =	sdelay $0x1  }
0x19: {  	v4 =	vld [tilespmem:$0x10];
	_ =	sdelay $0x2  }
0x1a: {  	v3 =	vmul.u32 $0x15, v3;
	_ =	sdelay $0x1  }
0x1b: {  	v3 =	vadd.s32 v4, v3  }
0x1c: {  	v3 =	vshll.u32 v3, $0x4  }
0x1d: {  	v3 =	vor.u32 v1, v3;
	_ =	sdelay $0x4  }
0x1e: {  	[tilespmem:v3+s7+$0x0] =	vst.idx.add.f32.msk $0xffff, v2  }
0x1f: {  	v3 =	vld [tilespmem:$0x20];
	_ =	sdelay $0x1  }
0x20: {  	v33 =	vld [tilespmem:$0x30];
	_ =	sdelay $0x2  }
0x21: {  	v3 =	vmul.u32 $0x15, v3;
	_ =	sdelay $0x1  }
0x22: {  	v3 =	vadd.s32 v33, v3  }
0x23: {  	v3 =	vshll.u32 v3, $0x4  }
0x24: {  	v3 =	vor.u32 v1, v3;
	_ =	sdelay $0x4  }
0x25: {  	[tilespmem:v3+s7+$0x0] =	vst.idx.add.f32.msk $0xffff, v2  }
0x26: {  	v3 =	vld [tilespmem:$0x40];
	_ =	sdelay $0x1  }
0x27: {  	v34 =	vld [tilespmem:$0x50];
	_ =	sdelay $0x2  }
0x28: {  	v3 =	vmul.u32 $0x15, v3;
	_ =	sdelay $0x1  }
0x29: {  	v3 =	vadd.s32 v34, v3  }
0x2a: {  	v3 =	vshll.u32 v3, $0x4  }
0x2b: {  	v3 =	vor.u32 v1, v3;
	_ =	sdelay $0x4  }
0x2c: {  	[tilespmem:v3+s7+$0x0] =	vst.idx.add.f32.msk $0xffff, v2  }
0x2d: {  	v3 =	vld [tilespmem:$0x60];
	_ =	sdelay $0x1  }
0x2e: {  	v35 =	vld [tilespmem:$0x70];
	_ =	sdelay $0x2  }
0x2f: {  	v3 =	vmul.u32 $0x15, v3;
	_ =	sdelay $0x1  }
0x30: {  	v3 =	vadd.s32 v35, v3  }
0x31: {  	v3 =	vshll.u32 v3, $0x4  }
0x32: {  	v3 =	vor.u32 v1, v3;
	_ =	sdelay $0x4  }
0x33: {  	[tilespmem:v3+s7+$0x0] =	vst.idx.add.f32.msk $0xffff, v2  }
0x34: {  	v3 =	vld [tilespmem:$0x80];
	_ =	sdelay $0x1  }
0x35: {  	v36 =	vld [tilespmem:$0x90];
	_ =	sdelay $0x2  }
0x36: {  	v3 =	vmul.u32 $0x15, v3;
	_ =	sdelay $0x1  }
0x37: {  	v3 =	vadd.s32 v36, v3  }
0x38: {  	v3 =	vshll.u32 v3, $0x4  }
0x39: {  	v3 =	vor.u32 v1, v3;
	_ =	sdelay $0x4  }
0x3a: {  	[tilespmem:v3+s7+$0x0] =	vst.idx.add.f32.msk $0xffff, v2  }
0x3b: {  	v3 =	vld [tilespmem:$0xA0];
	_ =	sdelay $0x1  }
0x3c: {  	v37 =	vld [tilespmem:$0xB0];
	_ =	sdelay $0x2  }
0x3d: {  	v3 =	vmul.u32 $0x15, v3;
	_ =	sdelay $0x1  }
0x3e: {  	v3 =	vadd.s32 v37, v3  }
0x3f: {  	v3 =	vshll.u32 v3, $0x4  }
0x40: {  	v3 =	vor.u32 v1, v3;
	_ =	sdelay $0x4  }
0x41: {  	[tilespmem:v3+s7+$0x0] =	vst.idx.add.f32.msk $0xffff, v2  }
0x42: {  	v3 =	vld [tilespmem:$0xC0];
	_ =	sdelay $0x1  }
0x43: {  	v38 =	vld [tilespmem:$0xD0];
	_ =	sdelay $0x2  }
0x44: {  	v3 =	vmul.u32 $0x15, v3;
	_ =	sdelay $0x1  }
0x45: {  	v3 =	vadd.s32 v38, v3  }
0x46: {  	v3 =	vshll.u32 v3, $0x4  }
0x47: {  	v3 =	vor.u32 v1, v3;
	_ =	sdelay $0x4  }
0x48: {  	[tilespmem:v3+s7+$0x0] =	vst.idx.add.f32.msk $0xffff, v2  }
0x49: {  	v3 =	vld [tilespmem:$0xE0];
	_ =	sdelay $0x1  }
0x4a: {  	v39 =	vld [tilespmem:$0xF0];
	_ =	sdelay $0x2  }
0x4b: {  	v3 =	vmul.u32 $0x15, v3;
	_ =	sdelay $0x1  }
0x4c: {  	v3 =	vadd.s32 v39, v3  }
0x4d: {  	v3 =	vshll.u32 v3, $0x4  }
0x4e: {  	v3 =	vor.u32 v1, v3;
	_ =	sdelay $0x4  }
0x4f: {  	[tilespmem:v3+s7+$0x0] =	vst.idx.add.f32.msk $0xffff, v2  }
0x50: {  	v3 =	vld [tilespmem:$0x100];
	_ =	sdelay $0x1  }
0x51: {  	v40 =	vld [tilespmem:$0x110];
	_ =	sdelay $0x2  }
0x52: {  	v3 =	vmul.u32 $0x15, v3;
	_ =	sdelay $0x1  }
0x53: {  	v3 =	vadd.s32 v40, v3  }
0x54: {  	v3 =	vshll.u32 v3, $0x4  }
0x55: {  	v3 =	vor.u32 v1, v3;
	_ =	sdelay $0x4  }
0x56: {  	[tilespmem:v3+s7+$0x0] =	vst.idx.add.f32.msk $0xffff, v2  }
0x57: {  	v3 =	vld [tilespmem:$0x120];
	_ =	sdelay $0x1  }
0x58: {  	v41 =	vld [tilespmem:$0x130];
	_ =	sdelay $0x2  }
0x59: {  	v3 =	vmul.u32 $0x15, v3;
	_ =	sdelay $0x1  }
0x5a: {  	v3 =	vadd.s32 v41, v3  }
0x5b: {  	v3 =	vshll.u32 v3, $0x4  }
0x5c: {  	v3 =	vor.u32 v1, v3;
	_ =	sdelay $0x4  }
0x5d: {  	[tilespmem:v3+s7+$0x0] =	vst.idx.add.f32.msk $0xffff, v2  }
0x5e: {  	v3 =	vld [tilespmem:$0x140];
	_ =	sdelay $0x1  }
0x5f: {  	v42 =	vld [tilespmem:$0x150];
	_ =	sdelay $0x2  }
0x60: {  	v3 =	vmul.u32 $0x15, v3;
	_ =	sdelay $0x1  }
0x61: {  	v3 =	vadd.s32 v42, v3  }
0x62: {  	v3 =	vshll.u32 v3, $0x4  }
0x63: {  	v3 =	vor.u32 v1, v3;
	_ =	sdelay $0x4  }
0x64: {  	[tilespmem:v3+s7+$0x0] =	vst.idx.add.f32.msk $0xffff, v2  }
0x65: {  	v3 =	vld [tilespmem:$0x160];
	_ =	sdelay $0x1  }
0x66: {  	v43 =	vld [tilespmem:$0x170];
	_ =	sdelay $0x2  }
0x67: {  	v3 =	vmul.u32 $0x15, v3;
	_ =	sdelay $0x1  }
0x68: {  	v3 =	vadd.s32 v43, v3  }
0x69: {  	v3 =	vshll.u32 v3, $0x4  }
0x6a: {  	v3 =	vor.u32 v1, v3;
	_ =	sdelay $0x4  }
0x6b: {  	[tilespmem:v3+s7+$0x0] =	vst.idx.add.f32.msk $0xffff, v2  }
0x6c: {  	v3 =	vld [tilespmem:$0x180];
	_ =	sdelay $0x1  }
0x6d: {  	v44 =	vld [tilespmem:$0x190];
	_ =	sdelay $0x2  }
0x6e: {  	v3 =	vmul.u32 $0x15, v3;
	_ =	sdelay $0x1  }
0x6f: {  	v3 =	vadd.s32 v44, v3  }
0x70: {  	v3 =	vshll.u32 v3, $0x4  }
0x71: {  	v3 =	vor.u32 v1, v3;
	_ =	sdelay $0x4  }
0x72: {  	[tilespmem:v3+s7+$0x0] =	vst.idx.add.f32.msk $0xffff, v2  }
0x73: {  	v3 =	vld [tilespmem:$0x1A0];
	_ =	sdelay $0x1  }
0x74: {  	v45 =	vld [tilespmem:$0x1B0];
	_ =	sdelay $0x2  }
0x75: {  	v3 =	vmul.u32 $0x15, v3;
	_ =	sdelay $0x1  }
0x76: {  	v3 =	vadd.s32 v45, v3  }
0x77: {  	v3 =	vshll.u32 v3, $0x4  }
0x78: {  	v3 =	vor.u32 v1, v3;
	_ =	sdelay $0x4  }
0x79: {  	[tilespmem:v3+s7+$0x0] =	vst.idx.add.f32.msk $0xffff, v2  }
0x7a: {  	v3 =	vld [tilespmem:$0x1C0];
	_ =	sdelay $0x1  }
0x7b: {  	v46 =	vld [tilespmem:$0x1D0];
	_ =	sdelay $0x2  }
0x7c: {  	v3 =	vmul.u32 $0x15, v3;
	_ =	sdelay $0x1  }
0x7d: {  	v3 =	vadd.s32 v46, v3  }
0x7e: {  	v3 =	vshll.u32 v3, $0x4  }
0x7f: {  	v3 =	vor.u32 v1, v3;
	_ =	sdelay $0x4  }
0x80: {  	[tilespmem:v3+s7+$0x0] =	vst.idx.add.f32.msk $0xffff, v2  }
0x81: {  	v3 =	vld [tilespmem:$0x1E0];
	_ =	sdelay $0x1  }
0x82: {  	v47 =	vld [tilespmem:$0x1F0];
	_ =	sdelay $0x2  }
0x83: {  	v3 =	vmul.u32 $0x15, v3;
	_ =	sdelay $0x1  }
0x84: {  	v3 =	vadd.s32 v47, v3  }
0x85: {  	v3 =	vshll.u32 v3, $0x4  }
0x86: {  	v3 =	vor.u32 v1, v3;
	_ =	sdelay $0x4  }
0x87: {  	[tilespmem:v3+s7+$0x0] =	vst.idx.add.f32.msk $0xffff, v2  }
0x88: {  	v3 =	vld [tilespmem:$0x200];
	_ =	sdelay $0x1  }
0x89: {  	v48 =	vld [tilespmem:$0x210];
	_ =	sdelay $0x2  }
0x8a: {  	v3 =	vmul.u32 $0x15, v3;
	_ =	sdelay $0x1  }
0x8b: {  	v3 =	vadd.s32 v48, v3  }
0x8c: {  	v3 =	vshll.u32 v3, $0x4  }
0x8d: {  	v3 =	vor.u32 v1, v3;
	_ =	sdelay $0x4  }
0x8e: {  	[tilespmem:v3+s7+$0x0] =	vst.idx.add.f32.msk $0xffff, v2  }
0x8f: {  	v3 =	vld [tilespmem:$0x220];
	_ =	sdelay $0x1  }
0x90: {  	v49 =	vld [tilespmem:$0x230];
	_ =	sdelay $0x2  }
0x91: {  	v3 =	vmul.u32 $0x15, v3;
	_ =	sdelay $0x1  }
0x92: {  	v3 =	vadd.s32 v49, v3  }
0x93: {  	v3 =	vshll.u32 v3, $0x4  }
0x94: {  	v3 =	vor.u32 v1, v3;
	_ =	sdelay $0x4  }
0x95: {  	[tilespmem:v3+s7+$0x0] =	vst.idx.add.f32.msk $0xffff, v2  }
0x96: {  	v3 =	vld [tilespmem:$0x240];
	_ =	sdelay $0x1  }
0x97: {  	v50 =	vld [tilespmem:$0x250];
	_ =	sdelay $0x2  }
0x98: {  	v3 =	vmul.u32 $0x15, v3;
	_ =	sdelay $0x1  }
0x99: {  	v3 =	vadd.s32 v50, v3  }
0x9a: {  	v3 =	vshll.u32 v3, $0x4  }
0x9b: {  	v3 =	vor.u32 v1, v3;
	_ =	sdelay $0x4  }
0x9c: {  	[tilespmem:v3+s7+$0x0] =	vst.idx.add.f32.msk $0xffff, v2  }
0x9d: {  	v3 =	vld [tilespmem:$0x260];
	_ =	sdelay $0x1  }
0x9e: {  	v51 =	vld [tilespmem:$0x270];
	_ =	sdelay $0x2  }
0x9f: {  	v3 =	vmul.u32 $0x15, v3;
	_ =	sdelay $0x1  }
0xa0: {  	v3 =	vadd.s32 v51, v3  }
0xa1: {  	v3 =	vshll.u32 v3, $0x4  }
0xa2: {  	v3 =	vor.u32 v1, v3;
	_ =	sdelay $0x4  }
0xa3: {  	[tilespmem:v3+s7+$0x0] =	vst.idx.add.f32.msk $0xffff, v2  }
0xa4: {  	v3 =	vld [tilespmem:$0x280];
	_ =	sdelay $0x1  }
0xa5: {  	v52 =	vld [tilespmem:$0x290];
	_ =	sdelay $0x2  }
0xa6: {  	v3 =	vmul.u32 $0x15, v3;
	_ =	sdelay $0x1  }
0xa7: {  	v3 =	vadd.s32 v52, v3  }
0xa8: {  	v3 =	vshll.u32 v3, $0x4  }
0xa9: {  	v3 =	vor.u32 v1, v3;
	_ =	sdelay $0x4  }
0xaa: {  	[tilespmem:v3+s7+$0x0] =	vst.idx.add.f32.msk $0xffff, v2  }
0xab: {  	v3 =	vld [tilespmem:$0x2A0];
	_ =	sdelay $0x1  }
0xac: {  	v53 =	vld [tilespmem:$0x2B0];
	_ =	sdelay $0x2  }
0xad: {  	v3 =	vmul.u32 $0x15, v3;
	_ =	sdelay $0x1  }
0xae: {  	v3 =	vadd.s32 v53, v3  }
0xaf: {  	v3 =	vshll.u32 v3, $0x4  }
0xb0: {  	v3 =	vor.u32 v1, v3;
	_ =	sdelay $0x4  }
0xb1: {  	[tilespmem:v3+s7+$0x0] =	vst.idx.add.f32.msk $0xffff, v2  }
0xb2: {  	v3 =	vld [tilespmem:$0x2C0];
	_ =	sdelay $0x1  }
0xb3: {  	v54 =	vld [tilespmem:$0x2D0];
	_ =	sdelay $0x2  }
0xb4: {  	v3 =	vmul.u32 $0x15, v3;
	_ =	sdelay $0x1  }
0xb5: {  	v3 =	vadd.s32 v54, v3  }
0xb6: {  	v3 =	vshll.u32 v3, $0x4  }
0xb7: {  	v3 =	vor.u32 v1, v3;
	_ =	sdelay $0x4  }
0xb8: {  	[tilespmem:v3+s7+$0x0] =	vst.idx.add.f32.msk $0xffff, v2  }
0xb9: {  	v3 =	vld [tilespmem:$0x2E0];
	_ =	sdelay $0x1  }
0xba: {  	v55 =	vld [tilespmem:$0x2F0];
	_ =	sdelay $0x2  }
0xbb: {  	v3 =	vmul.u32 $0x15, v3;
	_ =	sdelay $0x1  }
0xbc: {  	v3 =	vadd.s32 v55, v3  }
0xbd: {  	v3 =	vshll.u32 v3, $0x4  }
0xbe: {  	v3 =	vor.u32 v1, v3;
	_ =	sdelay $0x4  }
0xbf: {  	[tilespmem:v3+s7+$0x0] =	vst.idx.add.f32.msk $0xffff, v2  }
0xc0: {  	v3 =	vld [tilespmem:$0x300];
	_ =	sdelay $0x1  }
0xc1: {  	v56 =	vld [tilespmem:$0x310];
	_ =	sdelay $0x2  }
0xc2: {  	v3 =	vmul.u32 $0x15, v3;
	_ =	sdelay $0x1  }
0xc3: {  	v3 =	vadd.s32 v56, v3  }
0xc4: {  	v3 =	vshll.u32 v3, $0x4  }
0xc5: {  	v3 =	vor.u32 v1, v3;
	_ =	sdelay $0x4  }
0xc6: {  	[tilespmem:v3+s7+$0x0] =	vst.idx.add.f32.msk $0xffff, v2  }
0xc7: {  	v3 =	vld [tilespmem:$0x320];
	_ =	sdelay $0x1  }
0xc8: {  	v57 =	vld [tilespmem:$0x330];
	_ =	sdelay $0x2  }
0xc9: {  	v3 =	vmul.u32 $0x15, v3;
	_ =	sdelay $0x1  }
0xca: {  	v3 =	vadd.s32 v57, v3  }
0xcb: {  	v3 =	vshll.u32 v3, $0x4  }
0xcc: {  	v3 =	vor.u32 v1, v3;
	_ =	sdelay $0x4  }
0xcd: {  	[tilespmem:v3+s7+$0x0] =	vst.idx.add.f32.msk $0xffff, v2  }
0xce: {  	v3 =	vld [tilespmem:$0x340];
	_ =	sdelay $0x1  }
0xcf: {  	v58 =	vld [tilespmem:$0x350];
	_ =	sdelay $0x2  }
0xd0: {  	v3 =	vmul.u32 $0x15, v3;
	_ =	sdelay $0x1  }
0xd1: {  	v3 =	vadd.s32 v58, v3  }
0xd2: {  	v3 =	vshll.u32 v3, $0x4  }
0xd3: {  	v3 =	vor.u32 v1, v3;
	_ =	sdelay $0x4  }
0xd4: {  	[tilespmem:v3+s7+$0x0] =	vst.idx.add.f32.msk $0xffff, v2  }
0xd5: {  	v3 =	vld [tilespmem:$0x360];
	_ =	sdelay $0x1  }
0xd6: {  	v59 =	vld [tilespmem:$0x370];
	_ =	sdelay $0x2  }
0xd7: {  	v3 =	vmul.u32 $0x15, v3;
	_ =	sdelay $0x1  }
0xd8: {  	v3 =	vadd.s32 v59, v3  }
0xd9: {  	v3 =	vshll.u32 v3, $0x4  }
0xda: {  	v3 =	vor.u32 v1, v3;
	_ =	sdelay $0x4  }
0xdb: {  	[tilespmem:v3+s7+$0x0] =	vst.idx.add.f32.msk $0xffff, v2  }
0xdc: {  	v3 =	vld [tilespmem:$0x380];
	_ =	sdelay $0x1  }
0xdd: {  	v60 =	vld [tilespmem:$0x390];
	_ =	sdelay $0x2  }
0xde: {  	v3 =	vmul.u32 $0x15, v3;
	_ =	sdelay $0x1  }
0xdf: {  	v3 =	vadd.s32 v60, v3  }
0xe0: {  	v3 =	vshll.u32 v3, $0x4  }
0xe1: {  	v3 =	vor.u32 v1, v3;
	_ =	sdelay $0x4  }
0xe2: {  	[tilespmem:v3+s7+$0x0] =	vst.idx.add.f32.msk $0xffff, v2  }
0xe3: {  	v3 =	vld [tilespmem:$0x3A0];
	_ =	sdelay $0x1  }
0xe4: {  	v61 =	vld [tilespmem:$0x3B0];
	_ =	sdelay $0x2  }
0xe5: {  	v3 =	vmul.u32 $0x15, v3;
	_ =	sdelay $0x1  }
0xe6: {  	v3 =	vadd.s32 v61, v3  }
0xe7: {  	v3 =	vshll.u32 v3, $0x4  }
0xe8: {  	v3 =	vor.u32 v1, v3;
	_ =	sdelay $0x4  }
0xe9: {  	[tilespmem:v3+s7+$0x0] =	vst.idx.add.f32.msk $0xffff, v2  }
0xea: {  	v3 =	vld [tilespmem:$0x3C0];
	_ =	sdelay $0x1  }
0xeb: {  	v62 =	vld [tilespmem:$0x3D0];
	_ =	sdelay $0x2  }
0xec: {  	v3 =	vmul.u32 $0x15, v3;
	_ =	sdelay $0x1  }
0xed: {  	v3 =	vadd.s32 v62, v3  }
0xee: {  	v3 =	vshll.u32 v3, $0x4  }
0xef: {  	v3 =	vor.u32 v1, v3;
	_ =	sdelay $0x4  }
0xf0: {  	[tilespmem:v3+s7+$0x0] =	vst.idx.add.f32.msk $0xffff, v2  }
0xf1: {  	v3 =	vld [tilespmem:$0x3E0];
	_ =	sdelay $0x1  }
0xf2: {  	v63 =	vld [tilespmem:$0x3F0];
	_ =	sdelay $0x2  }
0xf3: {  	v3 =	vmul.u32 $0x15, v3;
	_ =	sdelay $0x1  }
0xf4: {  	v3 =	vadd.s32 v63, v3  }
0xf5: {  	v3 =	vshll.u32 v3, $0x4  }
0xf6: {  	p0 =	sne.s32 s10, $0x1F80;
	v3 =	vor.u32 v1, v3  }
.Ltmp1:
0xf7: {  	_ = 	snop;
	(pc) =	sbr.rel @p0 .LBB2_4-.Ltmp1, $2  }
0xf8: {  	_ =	sdelay $0x2  }
0xf9: {  	s10 =	sadd.s32 $0x80, s10;
	[tilespmem:v3+s7+$0x0] =	vst.idx.add.f32.msk $0xffff, v2  }
0xfa: {  	s9 =	sadd.s32 $0x1, s9  }
0xfb: {  	p0 =	sne.s32 s9, s4  }
.Ltmp2:
0xfc: {  	_ = 	snop;
	(pc) =	sbr.rel @p0 .LBB2_1-.Ltmp2, $4  }
0xfd: {  	[hbm4b:s3+s8] =	stream.strided.scatter [tilespmem:s7], [sflag:$0x1], $0x1C00, s7, s8, $0x38;
	[tilespmem:$0x2000] =	vst v63  }
0xfe: {  	_ =	swait.ge [sflag:s6], $0x1C00  }
0xff: {  	[sflag:s6] =	ssyncset.done $0x0  }
0x100: {  	[sflag:s6] =	ssyncadd.s32 $0xFFFFE400  }
0x101: {  	_ =	sfence.sel $0x180000  }
0x102: {  	[bflag:$0x0] =	sbarrier.arrive $0xFFFF  }
0x103: {  	p0 =	sne.s32 s0, $0x0;
	_ =	strace $0x90000047  }
0x104: {  	s0 =	sadd.s32 @!p0 $0x100000, s1;
	[bflag:$0x2] =	sbarrier.arrive $0xFFFF  }
0x105: {  	[sflag:s0] =	ssyncadd.tile.s32 @!p0 $0x1;
	_ =	shalt  }
.Lfunc_end2:
_tile_overlayer_lowered:
.L_overlay_start_2:
0x106: {  	(tag) =	ssettag $0x2  }
0x107: {  	s0 =	rddreg [dreg:$0x0];
	s2 =	stileid.u32  }
0x108: {  	s1 =	rddreg [dreg:$0x1];
	p0 =	sne.s32 s2, $0x0  }
0x109: {  	s3 =	rddreg [dreg:$0x2];
	[bflag:$0x3] =	sbarrier.arrive $0xFFFF;
	s2 =	simm.s32 @!p0 $0x1C01  }
0x10a: {  	[timem:s3], [sflag:s2] =	dma.local @!p0 [hbm:s0], s1  }
0x10b: {  	s0 =	simm.s32 @!p0 $0x1  }
0x10c: {  	_ =	swait.ge @!p0 [sflag:s0], s1  }
0x10d: {  	s1 =	ssub.s32 @!p0 $0x0, s1;
	[sflag:s0] =	ssyncset.done @!p0 $0x0  }
0x10e: {  	[sflag:s0] =	ssyncadd.s32 @!p0 s1  }
0x10f: {  	[bflag:$0x3] =	sbarrier.arrive $0xFFFF  }
0x110: {  	_ =	shalt  }

</sc_bundles>
